<compile_context>
chip_gen: v7x
topology: tpu7x:2x2x1
jax: 0.10.2.dev20260603
libtpu: 0.0.44.dev20260713+nightly
codegen_flags: <defaults>
</compile_context>

<pallas_src>
import jax
import jax.numpy as jnp
from jax import lax
from jax.experimental import pallas as pl
from jax.experimental.pallas import tpu as pltpu
from jax.experimental.pallas import tpu_sc as plsc

N = 10000
E = 320000
D = 128

NC = 2
NS = 16
NW = NC * NS
NPAD = 10240
EW = E // NW
CH = 128
G = 80
RPS = NPAD // NS

_mesh = plsc.VectorSubcoreMesh(core_axis_name="c", subcore_axis_name="s")


def _sc_degree_body(z_hbm, ones_hbm, dstp_hbm, cnt_hbm, dst_v, ones_v, acc,
                    sem):
    del sem
    c = lax.axis_index("c")
    s = lax.axis_index("s")
    wid = s * NC + c
    pltpu.sync_copy(dstp_hbm.at[wid], dst_v)
    pltpu.sync_copy(ones_hbm, ones_v)
    pltpu.sync_copy(z_hbm, acc.at[pl.ds(s * RPS, RPS)])
    plsc.subcore_barrier()

    @pl.loop(0, G)
    def _scatter(g):
        pltpu.sync_copy(ones_v, acc.at[dst_v.at[g]], add=True)

    plsc.subcore_barrier()
    pltpu.sync_copy(acc.at[pl.ds(s * RPS, RPS)],
                    cnt_hbm.at[c, pl.ds(s * RPS, RPS)])


_sc_degree = pl.kernel(
    _sc_degree_body,
    out_type=jax.ShapeDtypeStruct((NC, NPAD, D), jnp.float32),
    mesh=_mesh,
    scratch_types=[
        pltpu.VMEM((G, CH), jnp.int32),
        pltpu.VMEM((CH, D), jnp.float32),
        pltpu.VMEM_SHARED((NPAD, D), jnp.float32),
        pltpu.SemaphoreType.DMA,
    ],
)


def _sc_prop_body(z_hbm, u_hbm, eidx_hbm, p_hbm, idx_v, rows, acc, sems):
    c = lax.axis_index("c")
    s = lax.axis_index("s")
    wid = s * NC + c
    pltpu.sync_copy(eidx_hbm.at[wid], idx_v)
    pltpu.sync_copy(z_hbm, acc.at[pl.ds(s * RPS, RPS)])
    plsc.subcore_barrier()

    @pl.loop(0, G)
    def _main(g):
        pltpu.async_copy(u_hbm.at[idx_v.at[0].at[g]], rows.at[0],
                         sems.at[0]).wait()
        pltpu.sync_copy(rows.at[0], acc.at[idx_v.at[1].at[g]], add=True)

    plsc.subcore_barrier()
    pltpu.sync_copy(acc.at[pl.ds(s * RPS, RPS)],
                    p_hbm.at[c, pl.ds(s * RPS, RPS)])


_sc_prop = pl.kernel(
    _sc_prop_body,
    out_type=jax.ShapeDtypeStruct((NC, NPAD, D), jnp.float32),
    mesh=_mesh,
    scratch_types=[
        pltpu.VMEM((2, G, CH), jnp.int32),
        pltpu.VMEM((1, CH, D), jnp.float32),
        pltpu.VMEM_SHARED((NPAD, D), jnp.float32),
        pltpu.SemaphoreType.DMA((1,)),
    ],
)



BN = 1024


def _tc_mm_body(x_ref, w_ref, h2_ref):
    h2_ref[...] = jnp.dot(x_ref[...], w_ref[...],
                          preferred_element_type=jnp.float32)


def _tc_u_body(cnt_ref, h2_ref, dinv_ref, u_ref):
    cnt = cnt_ref[0, :, 0] + cnt_ref[1, :, 0]
    dinv = lax.rsqrt(1.0 + cnt)[:, None]
    dinv_ref[...] = dinv
    u_ref[...] = dinv * h2_ref[...]


def _tc_epi_body(p_ref, u_ref, dinv_ref, b_ref, g_ref, be_ref, w_ref,
                 un_ref):
    dinv = dinv_ref[...]
    t = dinv * (p_ref[0] + p_ref[1] + u_ref[...]) + b_ref[...]
    t = jnp.maximum(t, 0.0)
    mu = jnp.mean(t, axis=-1, keepdims=True)
    var = jnp.mean((t - mu) ** 2, axis=-1, keepdims=True)
    y = (t - mu) * lax.rsqrt(var + 1e-5) * g_ref[...] + be_ref[...]
    un_ref[...] = dinv * jnp.dot(y, w_ref[...],
                                 preferred_element_type=jnp.float32)


def _tc_fin_body(p_ref, u_ref, dinv_ref, b_ref, o_ref):
    o_ref[...] = dinv_ref[...] * (p_ref[0] + p_ref[1] + u_ref[...]) \
        + b_ref[...]


_GRID = NPAD // BN
_spec_rows = pl.BlockSpec((BN, D), lambda i: (i, 0))
_spec_p = pl.BlockSpec((NC, BN, D), lambda i: (0, i, 0))
_spec_cnt = pl.BlockSpec((NC, BN, D), lambda i: (0, i, 0))
_spec_dinv = pl.BlockSpec((BN, 1), lambda i: (i, 0))
_spec_vec = pl.BlockSpec((1, D), lambda i: (0, 0))
_spec_w = pl.BlockSpec((D, D), lambda i: (0, 0))

_shape_rows = jax.ShapeDtypeStruct((NPAD, D), jnp.float32)

_tc_mm = pl.pallas_call(
    _tc_mm_body,
    grid=(_GRID,),
    in_specs=[_spec_rows, _spec_w],
    out_specs=_spec_rows,
    out_shape=_shape_rows,
)

_tc_u = pl.pallas_call(
    _tc_u_body,
    grid=(_GRID,),
    in_specs=[_spec_cnt, _spec_rows],
    out_specs=[_spec_dinv, _spec_rows],
    out_shape=[jax.ShapeDtypeStruct((NPAD, 1), jnp.float32), _shape_rows],
)

_tc_epi = pl.pallas_call(
    _tc_epi_body,
    grid=(_GRID,),
    in_specs=[_spec_p, _spec_rows, _spec_dinv, _spec_vec, _spec_vec,
              _spec_vec, _spec_w],
    out_specs=_spec_rows,
    out_shape=_shape_rows,
)

_tc_fin = pl.pallas_call(
    _tc_fin_body,
    grid=(_GRID,),
    in_specs=[_spec_p, _spec_rows, _spec_dinv, _spec_vec],
    out_specs=_spec_rows,
    out_shape=_shape_rows,
)


def kernel(x, edge_index, W1, b1, g1, be1, W2, b2, g2, be2, W3, b3):
    ei = edge_index.reshape(2, NW, EW)
    pad = jnp.full((2, NW, G * CH - EW), NPAD - 1, jnp.int32)
    eidx = (jnp.concatenate([ei, pad], axis=2)
            .reshape(2, NW, G, CH).transpose(1, 0, 2, 3))
    dstp = eidx[:, 1].reshape(NW, G, CH)
    x_pad = jnp.pad(x, ((0, NPAD - N), (0, 0)))
    b1r, g1r, be1r = b1.reshape(1, D), g1.reshape(1, D), be1.reshape(1, D)
    b2r, g2r, be2r = b2.reshape(1, D), g2.reshape(1, D), be2.reshape(1, D)
    b3r = b3.reshape(1, D)

    zrows = jnp.zeros((RPS, D), jnp.float32)
    ones = jnp.ones((CH, D), jnp.float32)

    cnt = _sc_degree(zrows, ones, dstp)
    h2 = _tc_mm(x_pad, W1)
    dinv, u = _tc_u(cnt, h2)

    p = _sc_prop(zrows, u, eidx)
    u = _tc_epi(p, u, dinv, b1r, g1r, be1r, W2)
    p = _sc_prop(zrows, u, eidx)
    u = _tc_epi(p, u, dinv, b2r, g2r, be2r, W3)
    p = _sc_prop(zrows, u, eidx)
    out = _tc_fin(p, u, dinv, b3r)
    return out[:N]

# --- scband reference (transcript-rebuilt; emitter-appended) ---
"""Pipeline reference for scband-enhanced-gnnmodel-19705309954560 (READ-ONLY COPY).

The authoritative reference and input builder live on the scoring server;
editing this copy changes nothing except your own understanding.
"""

import jax, jax.numpy as jnp
import numpy as np

N = 10000
E = 320000
D = 128


def setup_inputs(seed: int = 0) -> dict:
    key = jax.random.key(seed)
    ks = jax.random.split(key, 14)
    scale = 1.0 / np.sqrt(D)
    inp = {}
    inp["x"] = jax.random.normal(ks[0], (N, D), dtype=jnp.float32)
    inp["edge_index"] = jax.random.randint(ks[1], (2, E), 0, N, dtype=jnp.int32)
    inp["W1"] = jax.random.normal(ks[2], (D, D), dtype=jnp.float32) * scale
    inp["b1"] = jnp.zeros((D,), dtype=jnp.float32)
    inp["g1"] = jnp.ones((D,), dtype=jnp.float32)
    inp["be1"] = jnp.zeros((D,), dtype=jnp.float32)
    inp["W2"] = jax.random.normal(ks[3], (D, D), dtype=jnp.float32) * scale
    inp["b2"] = jnp.zeros((D,), dtype=jnp.float32)
    inp["g2"] = jnp.ones((D,), dtype=jnp.float32)
    inp["be2"] = jnp.zeros((D,), dtype=jnp.float32)
    inp["W3"] = jax.random.normal(ks[4], (D, D), dtype=jnp.float32) * scale
    inp["b3"] = jnp.zeros((D,), dtype=jnp.float32)
    return inp


def _gcn_conv(x, edge_index, W, b):
    # PyG-style GCNConv: add self-loops, symmetric normalization, linear transform
    src = edge_index[0]
    dst = edge_index[1]
    loop = jnp.arange(N, dtype=edge_index.dtype)
    src = jnp.concatenate([src, loop])
    dst = jnp.concatenate([dst, loop])
    h = x @ W
    deg = jax.ops.segment_sum(jnp.ones_like(dst, dtype=h.dtype), dst, num_segments=N)
    dinv = jnp.where(deg > 0, jax.lax.rsqrt(deg), 0.0)
    norm = dinv[src] * dinv[dst]
    msg = h[src] * norm[:, None]
    out = jax.ops.segment_sum(msg, dst, num_segments=N)
    return out + b


def _layer_norm(x, g, b, eps=1e-5):
    mu = jnp.mean(x, axis=-1, keepdims=True)
    var = jnp.var(x, axis=-1, keepdims=True)
    return (x - mu) * jax.lax.rsqrt(var + eps) * g + b


def reference(x, edge_index, W1, b1, g1, be1, W2, b2, g2, be2, W3, b3):
    # dropout is identity in eval mode
    h = jax.nn.relu(_gcn_conv(x, edge_index, W1, b1))
    h = _layer_norm(h, g1, be1)
    h = jax.nn.relu(_gcn_conv(h, edge_index, W2, b2))
    h = _layer_norm(h, g2, be2)
    out = _gcn_conv(h, edge_index, W3, b3)
    return out

if __name__ == "__main__":
    import jax
    _d = setup_inputs()
    print(jax.jit(kernel)(*tuple(_d.values())))

</pallas_src>

<mosaic_0001>
#map = affine_map<(d0, d1) -> (0, 0)>
#map1 = affine_map<(d0, d1) -> (0, 0, 0, 0)>
#map2 = affine_map<(d0, d1) -> (0, 0, 0)>
module attributes {stable_mosaic.version = 14 : i64} {
  func.func @_sc_prop_body(%arg0: i32, %arg1: i32, %arg2: memref<640x128xf32, #tpu.memory_space<hbm>>, %arg3: memref<10240x128xf32, #tpu.memory_space<hbm>>, %arg4: memref<32x2x80x128xi32, #tpu.memory_space<hbm>>, %arg5: memref<2x10240x128xf32, #tpu.memory_space<hbm>>, %arg6: memref<2x80x128xi32, #tpu.memory_space<vmem>>, %arg7: memref<1x128x128xf32, #tpu.memory_space<vmem>>, %arg8: memref<10240x128xf32, #tpu.memory_space<vmem_shared>>, %arg9: memref<1x!tpu.dma_semaphore, #tpu.memory_space<semaphore_mem>>) attributes {dimension_semantics = [#tpu.dimension_semantics<core_parallel>, #tpu.dimension_semantics<subcore_parallel>], iteration_bounds = array<i64: 2, 16>, scalar_prefetch = 0 : i64, scratch_operands = 4 : i64, tpu.core_type = #tpu.core_type<sc_vector_subcore>, window_params = [{transform_indices = #map}, {transform_indices = #map}, {transform_indices = #map1}, {transform_indices = #map2}]} {
    %mul3A = arith.constant 2 : i32
    %mul3A_0 = arith.muli %arg1, %mul3A : i32
    %add3A = arith.addi %mul3A_0, %arg0 : i32
    "tpu.region"() ({
      %run_scoped3A = tpu.sem_alloc : memref<!tpu.dma_semaphore, #tpu.memory_space<semaphore_mem>>
      %dma_start3A = arith.constant 0 : i32
      %dma_start3A_12 = arith.constant 0 : i32
      %dma_start3A_13 = arith.constant 0 : i32
      %dma_start3A_14 = tpu.memref_slice %arg4[%add3A, %dma_start3A, %dma_start3A_12, %dma_start3A_13] : memref<32x2x80x128xi32, #tpu.memory_space<hbm>> -> memref<1x2x80x128xi32, #tpu.memory_space<hbm>>
      %dma_start3A_15 = tpu.memref_squeeze %dma_start3A_14 : memref<1x2x80x128xi32, #tpu.memory_space<hbm>> -> memref<2x80x128xi32, #tpu.memory_space<hbm>>
      %dma_start3A_16 = arith.constant 0 : i32
      %dma_start3A_17 = arith.constant 0 : i32
      %dma_start3A_18 = arith.constant 0 : i32
      %dma_start3A_19 = tpu.memref_slice %arg4[%add3A, %dma_start3A_16, %dma_start3A_17, %dma_start3A_18] : memref<32x2x80x128xi32, #tpu.memory_space<hbm>> -> memref<1x2x80x128xi32, #tpu.memory_space<hbm>>
      %dma_start3A_20 = tpu.memref_squeeze %dma_start3A_19 : memref<1x2x80x128xi32, #tpu.memory_space<hbm>> -> memref<2x80x128xi32, #tpu.memory_space<hbm>>
      tpu.enqueue_dma source(%dma_start3A_20 : memref<2x80x128xi32, #tpu.memory_space<hbm>>) target(%arg6 : memref<2x80x128xi32, #tpu.memory_space<vmem>>) target_semaphore(%run_scoped3A : memref<!tpu.dma_semaphore, #tpu.memory_space<semaphore_mem>>)
      %dma_wait3A = arith.constant 0 : i32
      %dma_wait3A_21 = arith.constant 0 : i32
      %dma_wait3A_22 = arith.constant 0 : i32
      %dma_wait3A_23 = tpu.memref_slice %arg4[%add3A, %dma_wait3A, %dma_wait3A_21, %dma_wait3A_22] : memref<32x2x80x128xi32, #tpu.memory_space<hbm>> -> memref<1x2x80x128xi32, #tpu.memory_space<hbm>>
      %dma_wait3A_24 = tpu.memref_squeeze %dma_wait3A_23 : memref<1x2x80x128xi32, #tpu.memory_space<hbm>> -> memref<2x80x128xi32, #tpu.memory_space<hbm>>
      %dma_wait3A_25 = arith.constant 0 : i32
      %dma_wait3A_26 = arith.constant 0 : i32
      %dma_wait3A_27 = arith.constant 0 : i32
      %dma_wait3A_28 = tpu.memref_slice %arg4[%add3A, %dma_wait3A_25, %dma_wait3A_26, %dma_wait3A_27] : memref<32x2x80x128xi32, #tpu.memory_space<hbm>> -> memref<1x2x80x128xi32, #tpu.memory_space<hbm>>
      %dma_wait3A_29 = tpu.memref_squeeze %dma_wait3A_28 : memref<1x2x80x128xi32, #tpu.memory_space<hbm>> -> memref<2x80x128xi32, #tpu.memory_space<hbm>>
      tpu.wait_dma2 semaphore(%run_scoped3A : memref<!tpu.dma_semaphore, #tpu.memory_space<semaphore_mem>>) src(%dma_wait3A_29 : memref<2x80x128xi32, #tpu.memory_space<hbm>>) dst(%arg6 : memref<2x80x128xi32, #tpu.memory_space<vmem>>)
      tpu.yield
    }) : () -> ()
    %mul3A_1 = arith.constant 640 : i32
    %mul3A_2 = arith.muli %arg1, %mul3A_1 : i32
    "tpu.region"() ({
      %run_scoped3A = tpu.sem_alloc : memref<!tpu.dma_semaphore, #tpu.memory_space<semaphore_mem>>
      %dma_start3A = arith.constant 0 : i32
      %dma_start3A_12 = tpu.memref_slice %arg8[%mul3A_2, %dma_start3A] : memref<10240x128xf32, #tpu.memory_space<vmem_shared>> -> memref<640x128xf32, #tpu.memory_space<vmem_shared>>
      tpu.enqueue_dma source(%arg2 : memref<640x128xf32, #tpu.memory_space<hbm>>) target(%dma_start3A_12 : memref<640x128xf32, #tpu.memory_space<vmem_shared>>) target_semaphore(%run_scoped3A : memref<!tpu.dma_semaphore, #tpu.memory_space<semaphore_mem>>)
      %dma_wait3A = arith.constant 0 : i32
      %dma_wait3A_13 = tpu.memref_slice %arg8[%mul3A_2, %dma_wait3A] : memref<10240x128xf32, #tpu.memory_space<vmem_shared>> -> memref<640x128xf32, #tpu.memory_space<vmem_shared>>
      tpu.wait_dma2 semaphore(%run_scoped3A : memref<!tpu.dma_semaphore, #tpu.memory_space<semaphore_mem>>) src(%arg2 : memref<640x128xf32, #tpu.memory_space<hbm>>) dst(%dma_wait3A_13 : memref<640x128xf32, #tpu.memory_space<vmem_shared>>)
      tpu.yield
    }) : () -> ()
    %barrier3A = arith.constant 0 : index
    tpu.barrier barrier_id(%barrier3A)
    %scan3A = arith.constant 0 : i32
    %scan3A_3 = arith.constant 80 : i32
    %scan3A_4 = arith.addi %scan3A, %scan3A_3 : i32
    %scan3A_5 = arith.constant 1 : i32
    scf.for %scan3A_12 = %scan3A to %scan3A_4 step %scan3A_5  : i32 {
      %mul3A_13 = arith.constant 1 : i32
      %mul3A_14 = arith.muli %scan3A_12, %mul3A_13 : i32
      %add3A_15 = arith.constant 0 : i32
      %add3A_16 = arith.addi %add3A_15, %mul3A_14 : i32
      %dma_start3A = arith.constant 0 : i32
      %dma_start3A_17 = arith.constant 0 : i32
      %dma_start3A_18 = arith.constant 0 : i32
      %dma_start3A_19 = arith.constant 0 : i32
      %dma_start3A_20 = arith.constant 0 : i32
      %dma_start3A_21 = tpu.memref_slice %arg7[%dma_start3A_17, %dma_start3A_19, %dma_start3A_20] : memref<1x128x128xf32, #tpu.memory_space<vmem>> -> memref<1x128x128xf32, #tpu.memory_space<vmem>>
      %dma_start3A_22 = tpu.memref_squeeze %dma_start3A_21 : memref<1x128x128xf32, #tpu.memory_space<vmem>> -> memref<128x128xf32, #tpu.memory_space<vmem>>
      %dma_start3A_23 = arith.constant 0 : i32
      %dma_start3A_24 = arith.constant 0 : i32
      %dma_start3A_25 = tpu.memref_slice %arg6[%dma_start3A, %dma_start3A_23, %dma_start3A_24] : memref<2x80x128xi32, #tpu.memory_space<vmem>> -> memref<1x80x128xi32, #tpu.memory_space<vmem>>
      %dma_start3A_26 = tpu.memref_squeeze %dma_start3A_25 : memref<1x80x128xi32, #tpu.memory_space<vmem>> -> memref<80x128xi32, #tpu.memory_space<vmem>>
      %dma_start3A_27 = arith.constant 0 : i32
      %dma_start3A_28 = tpu.memref_slice %dma_start3A_26[%add3A_16, %dma_start3A_27] : memref<80x128xi32, #tpu.memory_space<vmem>> -> memref<1x128xi32, #tpu.memory_space<vmem>>
      %dma_start3A_29 = tpu.memref_squeeze %dma_start3A_28 : memref<1x128xi32, #tpu.memory_space<vmem>> -> memref<128xi32, #tpu.memory_space<vmem>>
      %dma_start3A_30 = arith.constant 0 : i32
      %dma_start3A_31 = arith.constant 0 : i32
      %dma_start3A_32 = tpu.memref_slice %arg3[%dma_start3A_30, %dma_start3A_31] : memref<10240x128xf32, #tpu.memory_space<hbm>> -> memref<10240x128xf32, #tpu.memory_space<hbm>>
      %dma_start3A_33 = tpu.memref_slice %arg9[%dma_start3A_18] : memref<1x!tpu.dma_semaphore, #tpu.memory_space<semaphore_mem>> -> memref<1x!tpu.dma_semaphore, #tpu.memory_space<semaphore_mem>>
      %dma_start3A_34 = tpu.memref_squeeze %dma_start3A_33 : memref<1x!tpu.dma_semaphore, #tpu.memory_space<semaphore_mem>> -> memref<!tpu.dma_semaphore, #tpu.memory_space<semaphore_mem>>
      tpu.enqueue_indirect_dma source(%dma_start3A_32 : memref<10240x128xf32, #tpu.memory_space<hbm>>) target(%dma_start3A_22 : memref<128x128xf32, #tpu.memory_space<vmem>>) offsets(%dma_start3A_29 : memref<128xi32, #tpu.memory_space<vmem>>) semaphore(%dma_start3A_34 : memref<!tpu.dma_semaphore, #tpu.memory_space<semaphore_mem>>)
      %dma_wait3A = arith.constant 0 : i32
      %dma_wait3A_35 = arith.constant 0 : i32
      %dma_wait3A_36 = arith.constant 0 : i32
      %dma_wait3A_37 = arith.constant 0 : i32
      %dma_wait3A_38 = arith.constant 0 : i32
      %dma_wait3A_39 = tpu.memref_slice %arg7[%dma_wait3A_35, %dma_wait3A_37, %dma_wait3A_38] : memref<1x128x128xf32, #tpu.memory_space<vmem>> -> memref<1x128x128xf32, #tpu.memory_space<vmem>>
      %dma_wait3A_40 = tpu.memref_squeeze %dma_wait3A_39 : memref<1x128x128xf32, #tpu.memory_space<vmem>> -> memref<128x128xf32, #tpu.memory_space<vmem>>
      %dma_wait3A_41 = arith.constant 0 : i32
      %dma_wait3A_42 = arith.constant 0 : i32
      %dma_wait3A_43 = tpu.memref_slice %arg6[%dma_wait3A, %dma_wait3A_41, %dma_wait3A_42] : memref<2x80x128xi32, #tpu.memory_space<vmem>> -> memref<1x80x128xi32, #tpu.memory_space<vmem>>
      %dma_wait3A_44 = tpu.memref_squeeze %dma_wait3A_43 : memref<1x80x128xi32, #tpu.memory_space<vmem>> -> memref<80x128xi32, #tpu.memory_space<vmem>>
      %dma_wait3A_45 = arith.constant 0 : i32
      %dma_wait3A_46 = tpu.memref_slice %dma_wait3A_44[%add3A_16, %dma_wait3A_45] : memref<80x128xi32, #tpu.memory_space<vmem>> -> memref<1x128xi32, #tpu.memory_space<vmem>>
      %dma_wait3A_47 = tpu.memref_squeeze %dma_wait3A_46 : memref<1x128xi32, #tpu.memory_space<vmem>> -> memref<128xi32, #tpu.memory_space<vmem>>
      %dma_wait3A_48 = arith.constant 0 : i32
      %dma_wait3A_49 = arith.constant 0 : i32
      %dma_wait3A_50 = tpu.memref_slice %arg3[%dma_wait3A_48, %dma_wait3A_49] : memref<10240x128xf32, #tpu.memory_space<hbm>> -> memref<10240x128xf32, #tpu.memory_space<hbm>>
      %dma_wait3A_51 = tpu.memref_slice %arg9[%dma_wait3A_36] : memref<1x!tpu.dma_semaphore, #tpu.memory_space<semaphore_mem>> -> memref<1x!tpu.dma_semaphore, #tpu.memory_space<semaphore_mem>>
      %dma_wait3A_52 = tpu.memref_squeeze %dma_wait3A_51 : memref<1x!tpu.dma_semaphore, #tpu.memory_space<semaphore_mem>> -> memref<!tpu.dma_semaphore, #tpu.memory_space<semaphore_mem>>
      tpu.wait_indirect_dma semaphore(%dma_wait3A_52 : memref<!tpu.dma_semaphore, #tpu.memory_space<semaphore_mem>>) src(%dma_wait3A_50 : memref<10240x128xf32, #tpu.memory_space<hbm>>) dst(%dma_wait3A_40 : memref<128x128xf32, #tpu.memory_space<vmem>>)
      %run_scoped3A = arith.constant 0 : i32
      %run_scoped3A_53 = arith.constant 1 : i32
      "tpu.region"() ({
        %run_scoped3A_54 = tpu.sem_alloc : memref<!tpu.dma_semaphore, #tpu.memory_space<semaphore_mem>>
        %dma_start3A_55 = arith.constant 0 : i32
        %dma_start3A_56 = arith.constant 0 : i32
        %dma_start3A_57 = tpu.memref_slice %arg7[%run_scoped3A, %dma_start3A_55, %dma_start3A_56] : memref<1x128x128xf32, #tpu.memory_space<vmem>> -> memref<1x128x128xf32, #tpu.memory_space<vmem>>
        %dma_start3A_58 = tpu.memref_squeeze %dma_start3A_57 : memref<1x128x128xf32, #tpu.memory_space<vmem>> -> memref<128x128xf32, #tpu.memory_space<vmem>>
        %dma_start3A_59 = arith.constant 0 : i32
        %dma_start3A_60 = arith.constant 0 : i32
        %dma_start3A_61 = tpu.memref_slice %arg6[%run_scoped3A_53, %dma_start3A_59, %dma_start3A_60] : memref<2x80x128xi32, #tpu.memory_space<vmem>> -> memref<1x80x128xi32, #tpu.memory_space<vmem>>
        %dma_start3A_62 = tpu.memref_squeeze %dma_start3A_61 : memref<1x80x128xi32, #tpu.memory_space<vmem>> -> memref<80x128xi32, #tpu.memory_space<vmem>>
        %dma_start3A_63 = arith.constant 0 : i32
        %dma_start3A_64 = tpu.memref_slice %dma_start3A_62[%add3A_16, %dma_start3A_63] : memref<80x128xi32, #tpu.memory_space<vmem>> -> memref<1x128xi32, #tpu.memory_space<vmem>>
        %dma_start3A_65 = tpu.memref_squeeze %dma_start3A_64 : memref<1x128xi32, #tpu.memory_space<vmem>> -> memref<128xi32, #tpu.memory_space<vmem>>
        %dma_start3A_66 = arith.constant 0 : i32
        %dma_start3A_67 = arith.constant 0 : i32
        %dma_start3A_68 = tpu.memref_slice %arg8[%dma_start3A_66, %dma_start3A_67] : memref<10240x128xf32, #tpu.memory_space<vmem_shared>> -> memref<10240x128xf32, #tpu.memory_space<vmem_shared>>
        tpu.enqueue_indirect_dma source(%dma_start3A_58 : memref<128x128xf32, #tpu.memory_space<vmem>>) target(%dma_start3A_68 : memref<10240x128xf32, #tpu.memory_space<vmem_shared>>) offsets(%dma_start3A_65 : memref<128xi32, #tpu.memory_space<vmem>>) semaphore(%run_scoped3A_54 : memref<!tpu.dma_semaphore, #tpu.memory_space<semaphore_mem>>) {add = true}
        %dma_wait3A_69 = arith.constant 0 : i32
        %dma_wait3A_70 = arith.constant 0 : i32
        %dma_wait3A_71 = tpu.memref_slice %arg7[%run_scoped3A, %dma_wait3A_69, %dma_wait3A_70] : memref<1x128x128xf32, #tpu.memory_space<vmem>> -> memref<1x128x128xf32, #tpu.memory_space<vmem>>
        %dma_wait3A_72 = tpu.memref_squeeze %dma_wait3A_71 : memref<1x128x128xf32, #tpu.memory_space<vmem>> -> memref<128x128xf32, #tpu.memory_space<vmem>>
        %dma_wait3A_73 = arith.constant 0 : i32
        %dma_wait3A_74 = arith.constant 0 : i32
        %dma_wait3A_75 = tpu.memref_slice %arg6[%run_scoped3A_53, %dma_wait3A_73, %dma_wait3A_74] : memref<2x80x128xi32, #tpu.memory_space<vmem>> -> memref<1x80x128xi32, #tpu.memory_space<vmem>>
        %dma_wait3A_76 = tpu.memref_squeeze %dma_wait3A_75 : memref<1x80x128xi32, #tpu.memory_space<vmem>> -> memref<80x128xi32, #tpu.memory_space<vmem>>
        %dma_wait3A_77 = arith.constant 0 : i32
        %dma_wait3A_78 = tpu.memref_slice %dma_wait3A_76[%add3A_16, %dma_wait3A_77] : memref<80x128xi32, #tpu.memory_space<vmem>> -> memref<1x128xi32, #tpu.memory_space<vmem>>
        %dma_wait3A_79 = tpu.memref_squeeze %dma_wait3A_78 : memref<1x128xi32, #tpu.memory_space<vmem>> -> memref<128xi32, #tpu.memory_space<vmem>>
        %dma_wait3A_80 = arith.constant 0 : i32
        %dma_wait3A_81 = arith.constant 0 : i32
        %dma_wait3A_82 = tpu.memref_slice %arg8[%dma_wait3A_80, %dma_wait3A_81] : memref<10240x128xf32, #tpu.memory_space<vmem_shared>> -> memref<10240x128xf32, #tpu.memory_space<vmem_shared>>
        tpu.wait_indirect_dma semaphore(%run_scoped3A_54 : memref<!tpu.dma_semaphore, #tpu.memory_space<semaphore_mem>>) src(%dma_wait3A_72 : memref<128x128xf32, #tpu.memory_space<vmem>>) dst(%dma_wait3A_82 : memref<10240x128xf32, #tpu.memory_space<vmem_shared>>)
        tpu.yield
      }) : () -> ()
    }
    %scan3A_6 = arith.constant 80 : i32
    %barrier3A_7 = arith.constant 0 : index
    tpu.barrier barrier_id(%barrier3A_7)
    %mul3A_8 = arith.constant 640 : i32
    %mul3A_9 = arith.muli %arg1, %mul3A_8 : i32
    %mul3A_10 = arith.constant 640 : i32
    %mul3A_11 = arith.muli %arg1, %mul3A_10 : i32
    "tpu.region"() ({
      %run_scoped3A = tpu.sem_alloc : memref<!tpu.dma_semaphore, #tpu.memory_space<semaphore_mem>>
      %dma_start3A = arith.constant 0 : i32
      %dma_start3A_12 = tpu.memref_slice %arg5[%arg0, %mul3A_11, %dma_start3A] : memref<2x10240x128xf32, #tpu.memory_space<hbm>> -> memref<1x640x128xf32, #tpu.memory_space<hbm>>
      %dma_start3A_13 = tpu.memref_squeeze %dma_start3A_12 : memref<1x640x128xf32, #tpu.memory_space<hbm>> -> memref<640x128xf32, #tpu.memory_space<hbm>>
      %dma_start3A_14 = arith.constant 0 : i32
      %dma_start3A_15 = tpu.memref_slice %arg8[%mul3A_9, %dma_start3A_14] : memref<10240x128xf32, #tpu.memory_space<vmem_shared>> -> memref<640x128xf32, #tpu.memory_space<vmem_shared>>
      tpu.enqueue_dma source(%dma_start3A_15 : memref<640x128xf32, #tpu.memory_space<vmem_shared>>) target(%dma_start3A_13 : memref<640x128xf32, #tpu.memory_space<hbm>>) target_semaphore(%run_scoped3A : memref<!tpu.dma_semaphore, #tpu.memory_space<semaphore_mem>>)
      %dma_wait3A = arith.constant 0 : i32
      %dma_wait3A_16 = tpu.memref_slice %arg5[%arg0, %mul3A_11, %dma_wait3A] : memref<2x10240x128xf32, #tpu.memory_space<hbm>> -> memref<1x640x128xf32, #tpu.memory_space<hbm>>
      %dma_wait3A_17 = tpu.memref_squeeze %dma_wait3A_16 : memref<1x640x128xf32, #tpu.memory_space<hbm>> -> memref<640x128xf32, #tpu.memory_space<hbm>>
      %dma_wait3A_18 = arith.constant 0 : i32
      %dma_wait3A_19 = tpu.memref_slice %arg8[%mul3A_9, %dma_wait3A_18] : memref<10240x128xf32, #tpu.memory_space<vmem_shared>> -> memref<640x128xf32, #tpu.memory_space<vmem_shared>>
      tpu.wait_dma2 semaphore(%run_scoped3A : memref<!tpu.dma_semaphore, #tpu.memory_space<semaphore_mem>>) src(%dma_wait3A_19 : memref<640x128xf32, #tpu.memory_space<vmem_shared>>) dst(%dma_wait3A_17 : memref<640x128xf32, #tpu.memory_space<hbm>>)
      tpu.yield
    }) : () -> ()
    return
  }
}

#map = affine_map<(d0, d1) -> (0, 0)>
#map1 = affine_map<(d0, d1) -> (0, 0, 0)>
module attributes {stable_mosaic.version = 14 : i64} {
  func.func @_sc_degree_body(%arg0: i32, %arg1: i32, %arg2: memref<640x128xf32, #tpu.memory_space<hbm>>, %arg3: memref<128x128xf32, #tpu.memory_space<hbm>>, %arg4: memref<32x80x128xi32, #tpu.memory_space<hbm>>, %arg5: memref<2x10240x128xf32, #tpu.memory_space<hbm>>, %arg6: memref<80x128xi32, #tpu.memory_space<vmem>>, %arg7: memref<128x128xf32, #tpu.memory_space<vmem>>, %arg8: memref<10240x128xf32, #tpu.memory_space<vmem_shared>>, %arg9: memref<!tpu.dma_semaphore, #tpu.memory_space<semaphore_mem>>) attributes {dimension_semantics = [#tpu.dimension_semantics<core_parallel>, #tpu.dimension_semantics<subcore_parallel>], iteration_bounds = array<i64: 2, 16>, scalar_prefetch = 0 : i64, scratch_operands = 4 : i64, tpu.core_type = #tpu.core_type<sc_vector_subcore>, window_params = [{transform_indices = #map}, {transform_indices = #map}, {transform_indices = #map1}, {transform_indices = #map1}]} {
    %mul3A = arith.constant 2 : i32
    %mul3A_0 = arith.muli %arg1, %mul3A : i32
    %add3A = arith.addi %mul3A_0, %arg0 : i32
    "tpu.region"() ({
      %run_scoped3A = tpu.sem_alloc : memref<!tpu.dma_semaphore, #tpu.memory_space<semaphore_mem>>
      %dma_start3A = arith.constant 0 : i32
      %dma_start3A_12 = arith.constant 0 : i32
      %dma_start3A_13 = tpu.memref_slice %arg4[%add3A, %dma_start3A, %dma_start3A_12] : memref<32x80x128xi32, #tpu.memory_space<hbm>> -> memref<1x80x128xi32, #tpu.memory_space<hbm>>
      %dma_start3A_14 = tpu.memref_squeeze %dma_start3A_13 : memref<1x80x128xi32, #tpu.memory_space<hbm>> -> memref<80x128xi32, #tpu.memory_space<hbm>>
      %dma_start3A_15 = arith.constant 0 : i32
      %dma_start3A_16 = arith.constant 0 : i32
      %dma_start3A_17 = tpu.memref_slice %arg4[%add3A, %dma_start3A_15, %dma_start3A_16] : memref<32x80x128xi32, #tpu.memory_space<hbm>> -> memref<1x80x128xi32, #tpu.memory_space<hbm>>
      %dma_start3A_18 = tpu.memref_squeeze %dma_start3A_17 : memref<1x80x128xi32, #tpu.memory_space<hbm>> -> memref<80x128xi32, #tpu.memory_space<hbm>>
      tpu.enqueue_dma source(%dma_start3A_18 : memref<80x128xi32, #tpu.memory_space<hbm>>) target(%arg6 : memref<80x128xi32, #tpu.memory_space<vmem>>) target_semaphore(%run_scoped3A : memref<!tpu.dma_semaphore, #tpu.memory_space<semaphore_mem>>)
      %dma_wait3A = arith.constant 0 : i32
      %dma_wait3A_19 = arith.constant 0 : i32
      %dma_wait3A_20 = tpu.memref_slice %arg4[%add3A, %dma_wait3A, %dma_wait3A_19] : memref<32x80x128xi32, #tpu.memory_space<hbm>> -> memref<1x80x128xi32, #tpu.memory_space<hbm>>
      %dma_wait3A_21 = tpu.memref_squeeze %dma_wait3A_20 : memref<1x80x128xi32, #tpu.memory_space<hbm>> -> memref<80x128xi32, #tpu.memory_space<hbm>>
      %dma_wait3A_22 = arith.constant 0 : i32
      %dma_wait3A_23 = arith.constant 0 : i32
      %dma_wait3A_24 = tpu.memref_slice %arg4[%add3A, %dma_wait3A_22, %dma_wait3A_23] : memref<32x80x128xi32, #tpu.memory_space<hbm>> -> memref<1x80x128xi32, #tpu.memory_space<hbm>>
      %dma_wait3A_25 = tpu.memref_squeeze %dma_wait3A_24 : memref<1x80x128xi32, #tpu.memory_space<hbm>> -> memref<80x128xi32, #tpu.memory_space<hbm>>
      tpu.wait_dma2 semaphore(%run_scoped3A : memref<!tpu.dma_semaphore, #tpu.memory_space<semaphore_mem>>) src(%dma_wait3A_25 : memref<80x128xi32, #tpu.memory_space<hbm>>) dst(%arg6 : memref<80x128xi32, #tpu.memory_space<vmem>>)
      tpu.yield
    }) : () -> ()
    "tpu.region"() ({
      %run_scoped3A = tpu.sem_alloc : memref<!tpu.dma_semaphore, #tpu.memory_space<semaphore_mem>>
      tpu.enqueue_dma source(%arg3 : memref<128x128xf32, #tpu.memory_space<hbm>>) target(%arg7 : memref<128x128xf32, #tpu.memory_space<vmem>>) target_semaphore(%run_scoped3A : memref<!tpu.dma_semaphore, #tpu.memory_space<semaphore_mem>>)
      tpu.wait_dma2 semaphore(%run_scoped3A : memref<!tpu.dma_semaphore, #tpu.memory_space<semaphore_mem>>) src(%arg3 : memref<128x128xf32, #tpu.memory_space<hbm>>) dst(%arg7 : memref<128x128xf32, #tpu.memory_space<vmem>>)
      tpu.yield
    }) : () -> ()
    %mul3A_1 = arith.constant 640 : i32
    %mul3A_2 = arith.muli %arg1, %mul3A_1 : i32
    "tpu.region"() ({
      %run_scoped3A = tpu.sem_alloc : memref<!tpu.dma_semaphore, #tpu.memory_space<semaphore_mem>>
      %dma_start3A = arith.constant 0 : i32
      %dma_start3A_12 = tpu.memref_slice %arg8[%mul3A_2, %dma_start3A] : memref<10240x128xf32, #tpu.memory_space<vmem_shared>> -> memref<640x128xf32, #tpu.memory_space<vmem_shared>>
      tpu.enqueue_dma source(%arg2 : memref<640x128xf32, #tpu.memory_space<hbm>>) target(%dma_start3A_12 : memref<640x128xf32, #tpu.memory_space<vmem_shared>>) target_semaphore(%run_scoped3A : memref<!tpu.dma_semaphore, #tpu.memory_space<semaphore_mem>>)
      %dma_wait3A = arith.constant 0 : i32
      %dma_wait3A_13 = tpu.memref_slice %arg8[%mul3A_2, %dma_wait3A] : memref<10240x128xf32, #tpu.memory_space<vmem_shared>> -> memref<640x128xf32, #tpu.memory_space<vmem_shared>>
      tpu.wait_dma2 semaphore(%run_scoped3A : memref<!tpu.dma_semaphore, #tpu.memory_space<semaphore_mem>>) src(%arg2 : memref<640x128xf32, #tpu.memory_space<hbm>>) dst(%dma_wait3A_13 : memref<640x128xf32, #tpu.memory_space<vmem_shared>>)
      tpu.yield
    }) : () -> ()
    %barrier3A = arith.constant 0 : index
    tpu.barrier barrier_id(%barrier3A)
    %scan3A = arith.constant 0 : i32
    %scan3A_3 = arith.constant 80 : i32
    %scan3A_4 = arith.addi %scan3A, %scan3A_3 : i32
    %scan3A_5 = arith.constant 1 : i32
    scf.for %scan3A_12 = %scan3A to %scan3A_4 step %scan3A_5  : i32 {
      %mul3A_13 = arith.constant 1 : i32
      %mul3A_14 = arith.muli %scan3A_12, %mul3A_13 : i32
      %add3A_15 = arith.constant 0 : i32
      %add3A_16 = arith.addi %add3A_15, %mul3A_14 : i32
      "tpu.region"() ({
        %run_scoped3A = tpu.sem_alloc : memref<!tpu.dma_semaphore, #tpu.memory_space<semaphore_mem>>
        %dma_start3A = arith.constant 0 : i32
        %dma_start3A_17 = tpu.memref_slice %arg6[%add3A_16, %dma_start3A] : memref<80x128xi32, #tpu.memory_space<vmem>> -> memref<1x128xi32, #tpu.memory_space<vmem>>
        %dma_start3A_18 = tpu.memref_squeeze %dma_start3A_17 : memref<1x128xi32, #tpu.memory_space<vmem>> -> memref<128xi32, #tpu.memory_space<vmem>>
        %dma_start3A_19 = arith.constant 0 : i32
        %dma_start3A_20 = arith.constant 0 : i32
        %dma_start3A_21 = tpu.memref_slice %arg8[%dma_start3A_19, %dma_start3A_20] : memref<10240x128xf32, #tpu.memory_space<vmem_shared>> -> memref<10240x128xf32, #tpu.memory_space<vmem_shared>>
        tpu.enqueue_indirect_dma source(%arg7 : memref<128x128xf32, #tpu.memory_space<vmem>>) target(%dma_start3A_21 : memref<10240x128xf32, #tpu.memory_space<vmem_shared>>) offsets(%dma_start3A_18 : memref<128xi32, #tpu.memory_space<vmem>>) semaphore(%run_scoped3A : memref<!tpu.dma_semaphore, #tpu.memory_space<semaphore_mem>>) {add = true}
        %dma_wait3A = arith.constant 0 : i32
        %dma_wait3A_22 = tpu.memref_slice %arg6[%add3A_16, %dma_wait3A] : memref<80x128xi32, #tpu.memory_space<vmem>> -> memref<1x128xi32, #tpu.memory_space<vmem>>
        %dma_wait3A_23 = tpu.memref_squeeze %dma_wait3A_22 : memref<1x128xi32, #tpu.memory_space<vmem>> -> memref<128xi32, #tpu.memory_space<vmem>>
        %dma_wait3A_24 = arith.constant 0 : i32
        %dma_wait3A_25 = arith.constant 0 : i32
        %dma_wait3A_26 = tpu.memref_slice %arg8[%dma_wait3A_24, %dma_wait3A_25] : memref<10240x128xf32, #tpu.memory_space<vmem_shared>> -> memref<10240x128xf32, #tpu.memory_space<vmem_shared>>
        tpu.wait_indirect_dma semaphore(%run_scoped3A : memref<!tpu.dma_semaphore, #tpu.memory_space<semaphore_mem>>) src(%arg7 : memref<128x128xf32, #tpu.memory_space<vmem>>) dst(%dma_wait3A_26 : memref<10240x128xf32, #tpu.memory_space<vmem_shared>>)
        tpu.yield
      }) : () -> ()
    }
    %scan3A_6 = arith.constant 80 : i32
    %barrier3A_7 = arith.constant 0 : index
    tpu.barrier barrier_id(%barrier3A_7)
    %mul3A_8 = arith.constant 640 : i32
    %mul3A_9 = arith.muli %arg1, %mul3A_8 : i32
    %mul3A_10 = arith.constant 640 : i32
    %mul3A_11 = arith.muli %arg1, %mul3A_10 : i32
    "tpu.region"() ({
      %run_scoped3A = tpu.sem_alloc : memref<!tpu.dma_semaphore, #tpu.memory_space<semaphore_mem>>
      %dma_start3A = arith.constant 0 : i32
      %dma_start3A_12 = tpu.memref_slice %arg5[%arg0, %mul3A_11, %dma_start3A] : memref<2x10240x128xf32, #tpu.memory_space<hbm>> -> memref<1x640x128xf32, #tpu.memory_space<hbm>>
      %dma_start3A_13 = tpu.memref_squeeze %dma_start3A_12 : memref<1x640x128xf32, #tpu.memory_space<hbm>> -> memref<640x128xf32, #tpu.memory_space<hbm>>
      %dma_start3A_14 = arith.constant 0 : i32
      %dma_start3A_15 = tpu.memref_slice %arg8[%mul3A_9, %dma_start3A_14] : memref<10240x128xf32, #tpu.memory_space<vmem_shared>> -> memref<640x128xf32, #tpu.memory_space<vmem_shared>>
      tpu.enqueue_dma source(%dma_start3A_15 : memref<640x128xf32, #tpu.memory_space<vmem_shared>>) target(%dma_start3A_13 : memref<640x128xf32, #tpu.memory_space<hbm>>) target_semaphore(%run_scoped3A : memref<!tpu.dma_semaphore, #tpu.memory_space<semaphore_mem>>)
      %dma_wait3A = arith.constant 0 : i32
      %dma_wait3A_16 = tpu.memref_slice %arg5[%arg0, %mul3A_11, %dma_wait3A] : memref<2x10240x128xf32, #tpu.memory_space<hbm>> -> memref<1x640x128xf32, #tpu.memory_space<hbm>>
      %dma_wait3A_17 = tpu.memref_squeeze %dma_wait3A_16 : memref<1x640x128xf32, #tpu.memory_space<hbm>> -> memref<640x128xf32, #tpu.memory_space<hbm>>
      %dma_wait3A_18 = arith.constant 0 : i32
      %dma_wait3A_19 = tpu.memref_slice %arg8[%mul3A_9, %dma_wait3A_18] : memref<10240x128xf32, #tpu.memory_space<vmem_shared>> -> memref<640x128xf32, #tpu.memory_space<vmem_shared>>
      tpu.wait_dma2 semaphore(%run_scoped3A : memref<!tpu.dma_semaphore, #tpu.memory_space<semaphore_mem>>) src(%dma_wait3A_19 : memref<640x128xf32, #tpu.memory_space<vmem_shared>>) dst(%dma_wait3A_17 : memref<640x128xf32, #tpu.memory_space<hbm>>)
      tpu.yield
    }) : () -> ()
    return
  }
}

#map = affine_map<(d0, d1) -> (0, 0)>
#map1 = affine_map<(d0, d1) -> (0, 0, 0, 0)>
#map2 = affine_map<(d0, d1) -> (0, 0, 0)>
module attributes {stable_mosaic.version = 14 : i64} {
  func.func @_sc_prop_body(%arg0: i32, %arg1: i32, %arg2: memref<640x128xf32, #tpu.memory_space<hbm>>, %arg3: memref<10240x128xf32, #tpu.memory_space<hbm>>, %arg4: memref<32x2x80x128xi32, #tpu.memory_space<hbm>>, %arg5: memref<2x10240x128xf32, #tpu.memory_space<hbm>>, %arg6: memref<2x80x128xi32, #tpu.memory_space<vmem>>, %arg7: memref<1x128x128xf32, #tpu.memory_space<vmem>>, %arg8: memref<10240x128xf32, #tpu.memory_space<vmem_shared>>, %arg9: memref<1x!tpu.dma_semaphore, #tpu.memory_space<semaphore_mem>>) attributes {dimension_semantics = [#tpu.dimension_semantics<core_parallel>, #tpu.dimension_semantics<subcore_parallel>], iteration_bounds = array<i64: 2, 16>, scalar_prefetch = 0 : i64, scratch_operands = 4 : i64, tpu.core_type = #tpu.core_type<sc_vector_subcore>, window_params = [{transform_indices = #map}, {transform_indices = #map}, {transform_indices = #map1}, {transform_indices = #map2}]} {
    %mul3A = arith.constant 2 : i32
    %mul3A_0 = arith.muli %arg1, %mul3A : i32
    %add3A = arith.addi %mul3A_0, %arg0 : i32
    "tpu.region"() ({
      %run_scoped3A = tpu.sem_alloc : memref<!tpu.dma_semaphore, #tpu.memory_space<semaphore_mem>>
      %dma_start3A = arith.constant 0 : i32
      %dma_start3A_12 = arith.constant 0 : i32
      %dma_start3A_13 = arith.constant 0 : i32
      %dma_start3A_14 = tpu.memref_slice %arg4[%add3A, %dma_start3A, %dma_start3A_12, %dma_start3A_13] : memref<32x2x80x128xi32, #tpu.memory_space<hbm>> -> memref<1x2x80x128xi32, #tpu.memory_space<hbm>>
      %dma_start3A_15 = tpu.memref_squeeze %dma_start3A_14 : memref<1x2x80x128xi32, #tpu.memory_space<hbm>> -> memref<2x80x128xi32, #tpu.memory_space<hbm>>
      %dma_start3A_16 = arith.constant 0 : i32
      %dma_start3A_17 = arith.constant 0 : i32
      %dma_start3A_18 = arith.constant 0 : i32
      %dma_start3A_19 = tpu.memref_slice %arg4[%add3A, %dma_start3A_16, %dma_start3A_17, %dma_start3A_18] : memref<32x2x80x128xi32, #tpu.memory_space<hbm>> -> memref<1x2x80x128xi32, #tpu.memory_space<hbm>>
      %dma_start3A_20 = tpu.memref_squeeze %dma_start3A_19 : memref<1x2x80x128xi32, #tpu.memory_space<hbm>> -> memref<2x80x128xi32, #tpu.memory_space<hbm>>
      tpu.enqueue_dma source(%dma_start3A_20 : memref<2x80x128xi32, #tpu.memory_space<hbm>>) target(%arg6 : memref<2x80x128xi32, #tpu.memory_space<vmem>>) target_semaphore(%run_scoped3A : memref<!tpu.dma_semaphore, #tpu.memory_space<semaphore_mem>>)
      %dma_wait3A = arith.constant 0 : i32
      %dma_wait3A_21 = arith.constant 0 : i32
      %dma_wait3A_22 = arith.constant 0 : i32
      %dma_wait3A_23 = tpu.memref_slice %arg4[%add3A, %dma_wait3A, %dma_wait3A_21, %dma_wait3A_22] : memref<32x2x80x128xi32, #tpu.memory_space<hbm>> -> memref<1x2x80x128xi32, #tpu.memory_space<hbm>>
      %dma_wait3A_24 = tpu.memref_squeeze %dma_wait3A_23 : memref<1x2x80x128xi32, #tpu.memory_space<hbm>> -> memref<2x80x128xi32, #tpu.memory_space<hbm>>
      %dma_wait3A_25 = arith.constant 0 : i32
      %dma_wait3A_26 = arith.constant 0 : i32
      %dma_wait3A_27 = arith.constant 0 : i32
      %dma_wait3A_28 = tpu.memref_slice %arg4[%add3A, %dma_wait3A_25, %dma_wait3A_26, %dma_wait3A_27] : memref<32x2x80x128xi32, #tpu.memory_space<hbm>> -> memref<1x2x80x128xi32, #tpu.memory_space<hbm>>
      %dma_wait3A_29 = tpu.memref_squeeze %dma_wait3A_28 : memref<1x2x80x128xi32, #tpu.memory_space<hbm>> -> memref<2x80x128xi32, #tpu.memory_space<hbm>>
      tpu.wait_dma2 semaphore(%run_scoped3A : memref<!tpu.dma_semaphore, #tpu.memory_space<semaphore_mem>>) src(%dma_wait3A_29 : memref<2x80x128xi32, #tpu.memory_space<hbm>>) dst(%arg6 : memref<2x80x128xi32, #tpu.memory_space<vmem>>)
      tpu.yield
    }) : () -> ()
    %mul3A_1 = arith.constant 640 : i32
    %mul3A_2 = arith.muli %arg1, %mul3A_1 : i32
    "tpu.region"() ({
      %run_scoped3A = tpu.sem_alloc : memref<!tpu.dma_semaphore, #tpu.memory_space<semaphore_mem>>
      %dma_start3A = arith.constant 0 : i32
      %dma_start3A_12 = tpu.memref_slice %arg8[%mul3A_2, %dma_start3A] : memref<10240x128xf32, #tpu.memory_space<vmem_shared>> -> memref<640x128xf32, #tpu.memory_space<vmem_shared>>
      tpu.enqueue_dma source(%arg2 : memref<640x128xf32, #tpu.memory_space<hbm>>) target(%dma_start3A_12 : memref<640x128xf32, #tpu.memory_space<vmem_shared>>) target_semaphore(%run_scoped3A : memref<!tpu.dma_semaphore, #tpu.memory_space<semaphore_mem>>)
      %dma_wait3A = arith.constant 0 : i32
      %dma_wait3A_13 = tpu.memref_slice %arg8[%mul3A_2, %dma_wait3A] : memref<10240x128xf32, #tpu.memory_space<vmem_shared>> -> memref<640x128xf32, #tpu.memory_space<vmem_shared>>
      tpu.wait_dma2 semaphore(%run_scoped3A : memref<!tpu.dma_semaphore, #tpu.memory_space<semaphore_mem>>) src(%arg2 : memref<640x128xf32, #tpu.memory_space<hbm>>) dst(%dma_wait3A_13 : memref<640x128xf32, #tpu.memory_space<vmem_shared>>)
      tpu.yield
    }) : () -> ()
    %barrier3A = arith.constant 0 : index
    tpu.barrier barrier_id(%barrier3A)
    %scan3A = arith.constant 0 : i32
    %scan3A_3 = arith.constant 80 : i32
    %scan3A_4 = arith.addi %scan3A, %scan3A_3 : i32
    %scan3A_5 = arith.constant 1 : i32
    scf.for %scan3A_12 = %scan3A to %scan3A_4 step %scan3A_5  : i32 {
      %mul3A_13 = arith.constant 1 : i32
      %mul3A_14 = arith.muli %scan3A_12, %mul3A_13 : i32
      %add3A_15 = arith.constant 0 : i32
      %add3A_16 = arith.addi %add3A_15, %mul3A_14 : i32
      %dma_start3A = arith.constant 0 : i32
      %dma_start3A_17 = arith.constant 0 : i32
      %dma_start3A_18 = arith.constant 0 : i32
      %dma_start3A_19 = arith.constant 0 : i32
      %dma_start3A_20 = arith.constant 0 : i32
      %dma_start3A_21 = tpu.memref_slice %arg7[%dma_start3A_17, %dma_start3A_19, %dma_start3A_20] : memref<1x128x128xf32, #tpu.memory_space<vmem>> -> memref<1x128x128xf32, #tpu.memory_space<vmem>>
      %dma_start3A_22 = tpu.memref_squeeze %dma_start3A_21 : memref<1x128x128xf32, #tpu.memory_space<vmem>> -> memref<128x128xf32, #tpu.memory_space<vmem>>
      %dma_start3A_23 = arith.constant 0 : i32
      %dma_start3A_24 = arith.constant 0 : i32
      %dma_start3A_25 = tpu.memref_slice %arg6[%dma_start3A, %dma_start3A_23, %dma_start3A_24] : memref<2x80x128xi32, #tpu.memory_space<vmem>> -> memref<1x80x128xi32, #tpu.memory_space<vmem>>
      %dma_start3A_26 = tpu.memref_squeeze %dma_start3A_25 : memref<1x80x128xi32, #tpu.memory_space<vmem>> -> memref<80x128xi32, #tpu.memory_space<vmem>>
      %dma_start3A_27 = arith.constant 0 : i32
      %dma_start3A_28 = tpu.memref_slice %dma_start3A_26[%add3A_16, %dma_start3A_27] : memref<80x128xi32, #tpu.memory_space<vmem>> -> memref<1x128xi32, #tpu.memory_space<vmem>>
      %dma_start3A_29 = tpu.memref_squeeze %dma_start3A_28 : memref<1x128xi32, #tpu.memory_space<vmem>> -> memref<128xi32, #tpu.memory_space<vmem>>
      %dma_start3A_30 = arith.constant 0 : i32
      %dma_start3A_31 = arith.constant 0 : i32
      %dma_start3A_32 = tpu.memref_slice %arg3[%dma_start3A_30, %dma_start3A_31] : memref<10240x128xf32, #tpu.memory_space<hbm>> -> memref<10240x128xf32, #tpu.memory_space<hbm>>
      %dma_start3A_33 = tpu.memref_slice %arg9[%dma_start3A_18] : memref<1x!tpu.dma_semaphore, #tpu.memory_space<semaphore_mem>> -> memref<1x!tpu.dma_semaphore, #tpu.memory_space<semaphore_mem>>
      %dma_start3A_34 = tpu.memref_squeeze %dma_start3A_33 : memref<1x!tpu.dma_semaphore, #tpu.memory_space<semaphore_mem>> -> memref<!tpu.dma_semaphore, #tpu.memory_space<semaphore_mem>>
      tpu.enqueue_indirect_dma source(%dma_start3A_32 : memref<10240x128xf32, #tpu.memory_space<hbm>>) target(%dma_start3A_22 : memref<128x128xf32, #tpu.memory_space<vmem>>) offsets(%dma_start3A_29 : memref<128xi32, #tpu.memory_space<vmem>>) semaphore(%dma_start3A_34 : memref<!tpu.dma_semaphore, #tpu.memory_space<semaphore_mem>>)
      %dma_wait3A = arith.constant 0 : i32
      %dma_wait3A_35 = arith.constant 0 : i32
      %dma_wait3A_36 = arith.constant 0 : i32
      %dma_wait3A_37 = arith.constant 0 : i32
      %dma_wait3A_38 = arith.constant 0 : i32
      %dma_wait3A_39 = tpu.memref_slice %arg7[%dma_wait3A_35, %dma_wait3A_37, %dma_wait3A_38] : memref<1x128x128xf32, #tpu.memory_space<vmem>> -> memref<1x128x128xf32, #tpu.memory_space<vmem>>
      %dma_wait3A_40 = tpu.memref_squeeze %dma_wait3A_39 : memref<1x128x128xf32, #tpu.memory_space<vmem>> -> memref<128x128xf32, #tpu.memory_space<vmem>>
      %dma_wait3A_41 = arith.constant 0 : i32
      %dma_wait3A_42 = arith.constant 0 : i32
      %dma_wait3A_43 = tpu.memref_slice %arg6[%dma_wait3A, %dma_wait3A_41, %dma_wait3A_42] : memref<2x80x128xi32, #tpu.memory_space<vmem>> -> memref<1x80x128xi32, #tpu.memory_space<vmem>>
      %dma_wait3A_44 = tpu.memref_squeeze %dma_wait3A_43 : memref<1x80x128xi32, #tpu.memory_space<vmem>> -> memref<80x128xi32, #tpu.memory_space<vmem>>
      %dma_wait3A_45 = arith.constant 0 : i32
      %dma_wait3A_46 = tpu.memref_slice %dma_wait3A_44[%add3A_16, %dma_wait3A_45] : memref<80x128xi32, #tpu.memory_space<vmem>> -> memref<1x128xi32, #tpu.memory_space<vmem>>
      %dma_wait3A_47 = tpu.memref_squeeze %dma_wait3A_46 : memref<1x128xi32, #tpu.memory_space<vmem>> -> memref<128xi32, #tpu.memory_space<vmem>>
      %dma_wait3A_48 = arith.constant 0 : i32
      %dma_wait3A_49 = arith.constant 0 : i32
      %dma_wait3A_50 = tpu.memref_slice %arg3[%dma_wait3A_48, %dma_wait3A_49] : memref<10240x128xf32, #tpu.memory_space<hbm>> -> memref<10240x128xf32, #tpu.memory_space<hbm>>
      %dma_wait3A_51 = tpu.memref_slice %arg9[%dma_wait3A_36] : memref<1x!tpu.dma_semaphore, #tpu.memory_space<semaphore_mem>> -> memref<1x!tpu.dma_semaphore, #tpu.memory_space<semaphore_mem>>
      %dma_wait3A_52 = tpu.memref_squeeze %dma_wait3A_51 : memref<1x!tpu.dma_semaphore, #tpu.memory_space<semaphore_mem>> -> memref<!tpu.dma_semaphore, #tpu.memory_space<semaphore_mem>>
      tpu.wait_indirect_dma semaphore(%dma_wait3A_52 : memref<!tpu.dma_semaphore, #tpu.memory_space<semaphore_mem>>) src(%dma_wait3A_50 : memref<10240x128xf32, #tpu.memory_space<hbm>>) dst(%dma_wait3A_40 : memref<128x128xf32, #tpu.memory_space<vmem>>)
      %run_scoped3A = arith.constant 0 : i32
      %run_scoped3A_53 = arith.constant 1 : i32
      "tpu.region"() ({
        %run_scoped3A_54 = tpu.sem_alloc : memref<!tpu.dma_semaphore, #tpu.memory_space<semaphore_mem>>
        %dma_start3A_55 = arith.constant 0 : i32
        %dma_start3A_56 = arith.constant 0 : i32
        %dma_start3A_57 = tpu.memref_slice %arg7[%run_scoped3A, %dma_start3A_55, %dma_start3A_56] : memref<1x128x128xf32, #tpu.memory_space<vmem>> -> memref<1x128x128xf32, #tpu.memory_space<vmem>>
        %dma_start3A_58 = tpu.memref_squeeze %dma_start3A_57 : memref<1x128x128xf32, #tpu.memory_space<vmem>> -> memref<128x128xf32, #tpu.memory_space<vmem>>
        %dma_start3A_59 = arith.constant 0 : i32
        %dma_start3A_60 = arith.constant 0 : i32
        %dma_start3A_61 = tpu.memref_slice %arg6[%run_scoped3A_53, %dma_start3A_59, %dma_start3A_60] : memref<2x80x128xi32, #tpu.memory_space<vmem>> -> memref<1x80x128xi32, #tpu.memory_space<vmem>>
        %dma_start3A_62 = tpu.memref_squeeze %dma_start3A_61 : memref<1x80x128xi32, #tpu.memory_space<vmem>> -> memref<80x128xi32, #tpu.memory_space<vmem>>
        %dma_start3A_63 = arith.constant 0 : i32
        %dma_start3A_64 = tpu.memref_slice %dma_start3A_62[%add3A_16, %dma_start3A_63] : memref<80x128xi32, #tpu.memory_space<vmem>> -> memref<1x128xi32, #tpu.memory_space<vmem>>
        %dma_start3A_65 = tpu.memref_squeeze %dma_start3A_64 : memref<1x128xi32, #tpu.memory_space<vmem>> -> memref<128xi32, #tpu.memory_space<vmem>>
        %dma_start3A_66 = arith.constant 0 : i32
        %dma_start3A_67 = arith.constant 0 : i32
        %dma_start3A_68 = tpu.memref_slice %arg8[%dma_start3A_66, %dma_start3A_67] : memref<10240x128xf32, #tpu.memory_space<vmem_shared>> -> memref<10240x128xf32, #tpu.memory_space<vmem_shared>>
        tpu.enqueue_indirect_dma source(%dma_start3A_58 : memref<128x128xf32, #tpu.memory_space<vmem>>) target(%dma_start3A_68 : memref<10240x128xf32, #tpu.memory_space<vmem_shared>>) offsets(%dma_start3A_65 : memref<128xi32, #tpu.memory_space<vmem>>) semaphore(%run_scoped3A_54 : memref<!tpu.dma_semaphore, #tpu.memory_space<semaphore_mem>>) {add = true}
        %dma_wait3A_69 = arith.constant 0 : i32
        %dma_wait3A_70 = arith.constant 0 : i32
        %dma_wait3A_71 = tpu.memref_slice %arg7[%run_scoped3A, %dma_wait3A_69, %dma_wait3A_70] : memref<1x128x128xf32, #tpu.memory_space<vmem>> -> memref<1x128x128xf32, #tpu.memory_space<vmem>>
        %dma_wait3A_72 = tpu.memref_squeeze %dma_wait3A_71 : memref<1x128x128xf32, #tpu.memory_space<vmem>> -> memref<128x128xf32, #tpu.memory_space<vmem>>
        %dma_wait3A_73 = arith.constant 0 : i32
        %dma_wait3A_74 = arith.constant 0 : i32
        %dma_wait3A_75 = tpu.memref_slice %arg6[%run_scoped3A_53, %dma_wait3A_73, %dma_wait3A_74] : memref<2x80x128xi32, #tpu.memory_space<vmem>> -> memref<1x80x128xi32, #tpu.memory_space<vmem>>
        %dma_wait3A_76 = tpu.memref_squeeze %dma_wait3A_75 : memref<1x80x128xi32, #tpu.memory_space<vmem>> -> memref<80x128xi32, #tpu.memory_space<vmem>>
        %dma_wait3A_77 = arith.constant 0 : i32
        %dma_wait3A_78 = tpu.memref_slice %dma_wait3A_76[%add3A_16, %dma_wait3A_77] : memref<80x128xi32, #tpu.memory_space<vmem>> -> memref<1x128xi32, #tpu.memory_space<vmem>>
        %dma_wait3A_79 = tpu.memref_squeeze %dma_wait3A_78 : memref<1x128xi32, #tpu.memory_space<vmem>> -> memref<128xi32, #tpu.memory_space<vmem>>
        %dma_wait3A_80 = arith.constant 0 : i32
        %dma_wait3A_81 = arith.constant 0 : i32
        %dma_wait3A_82 = tpu.memref_slice %arg8[%dma_wait3A_80, %dma_wait3A_81] : memref<10240x128xf32, #tpu.memory_space<vmem_shared>> -> memref<10240x128xf32, #tpu.memory_space<vmem_shared>>
        tpu.wait_indirect_dma semaphore(%run_scoped3A_54 : memref<!tpu.dma_semaphore, #tpu.memory_space<semaphore_mem>>) src(%dma_wait3A_72 : memref<128x128xf32, #tpu.memory_space<vmem>>) dst(%dma_wait3A_82 : memref<10240x128xf32, #tpu.memory_space<vmem_shared>>)
        tpu.yield
      }) : () -> ()
    }
    %scan3A_6 = arith.constant 80 : i32
    %barrier3A_7 = arith.constant 0 : index
    tpu.barrier barrier_id(%barrier3A_7)
    %mul3A_8 = arith.constant 640 : i32
    %mul3A_9 = arith.muli %arg1, %mul3A_8 : i32
    %mul3A_10 = arith.constant 640 : i32
    %mul3A_11 = arith.muli %arg1, %mul3A_10 : i32
    "tpu.region"() ({
      %run_scoped3A = tpu.sem_alloc : memref<!tpu.dma_semaphore, #tpu.memory_space<semaphore_mem>>
      %dma_start3A = arith.constant 0 : i32
      %dma_start3A_12 = tpu.memref_slice %arg5[%arg0, %mul3A_11, %dma_start3A] : memref<2x10240x128xf32, #tpu.memory_space<hbm>> -> memref<1x640x128xf32, #tpu.memory_space<hbm>>
      %dma_start3A_13 = tpu.memref_squeeze %dma_start3A_12 : memref<1x640x128xf32, #tpu.memory_space<hbm>> -> memref<640x128xf32, #tpu.memory_space<hbm>>
      %dma_start3A_14 = arith.constant 0 : i32
      %dma_start3A_15 = tpu.memref_slice %arg8[%mul3A_9, %dma_start3A_14] : memref<10240x128xf32, #tpu.memory_space<vmem_shared>> -> memref<640x128xf32, #tpu.memory_space<vmem_shared>>
      tpu.enqueue_dma source(%dma_start3A_15 : memref<640x128xf32, #tpu.memory_space<vmem_shared>>) target(%dma_start3A_13 : memref<640x128xf32, #tpu.memory_space<hbm>>) target_semaphore(%run_scoped3A : memref<!tpu.dma_semaphore, #tpu.memory_space<semaphore_mem>>)
      %dma_wait3A = arith.constant 0 : i32
      %dma_wait3A_16 = tpu.memref_slice %arg5[%arg0, %mul3A_11, %dma_wait3A] : memref<2x10240x128xf32, #tpu.memory_space<hbm>> -> memref<1x640x128xf32, #tpu.memory_space<hbm>>
      %dma_wait3A_17 = tpu.memref_squeeze %dma_wait3A_16 : memref<1x640x128xf32, #tpu.memory_space<hbm>> -> memref<640x128xf32, #tpu.memory_space<hbm>>
      %dma_wait3A_18 = arith.constant 0 : i32
      %dma_wait3A_19 = tpu.memref_slice %arg8[%mul3A_9, %dma_wait3A_18] : memref<10240x128xf32, #tpu.memory_space<vmem_shared>> -> memref<640x128xf32, #tpu.memory_space<vmem_shared>>
      tpu.wait_dma2 semaphore(%run_scoped3A : memref<!tpu.dma_semaphore, #tpu.memory_space<semaphore_mem>>) src(%dma_wait3A_19 : memref<640x128xf32, #tpu.memory_space<vmem_shared>>) dst(%dma_wait3A_17 : memref<640x128xf32, #tpu.memory_space<hbm>>)
      tpu.yield
    }) : () -> ()
    return
  }
}

#map = affine_map<(d0, d1) -> (0, 0)>
#map1 = affine_map<(d0, d1) -> (0, 0, 0, 0)>
#map2 = affine_map<(d0, d1) -> (0, 0, 0)>
module attributes {stable_mosaic.version = 14 : i64} {
  func.func @_sc_prop_body(%arg0: i32, %arg1: i32, %arg2: memref<640x128xf32, #tpu.memory_space<hbm>>, %arg3: memref<10240x128xf32, #tpu.memory_space<hbm>>, %arg4: memref<32x2x80x128xi32, #tpu.memory_space<hbm>>, %arg5: memref<2x10240x128xf32, #tpu.memory_space<hbm>>, %arg6: memref<2x80x128xi32, #tpu.memory_space<vmem>>, %arg7: memref<1x128x128xf32, #tpu.memory_space<vmem>>, %arg8: memref<10240x128xf32, #tpu.memory_space<vmem_shared>>, %arg9: memref<1x!tpu.dma_semaphore, #tpu.memory_space<semaphore_mem>>) attributes {dimension_semantics = [#tpu.dimension_semantics<core_parallel>, #tpu.dimension_semantics<subcore_parallel>], iteration_bounds = array<i64: 2, 16>, scalar_prefetch = 0 : i64, scratch_operands = 4 : i64, tpu.core_type = #tpu.core_type<sc_vector_subcore>, window_params = [{transform_indices = #map}, {transform_indices = #map}, {transform_indices = #map1}, {transform_indices = #map2}]} {
    %mul3A = arith.constant 2 : i32
    %mul3A_0 = arith.muli %arg1, %mul3A : i32
    %add3A = arith.addi %mul3A_0, %arg0 : i32
    "tpu.region"() ({
      %run_scoped3A = tpu.sem_alloc : memref<!tpu.dma_semaphore, #tpu.memory_space<semaphore_mem>>
      %dma_start3A = arith.constant 0 : i32
      %dma_start3A_12 = arith.constant 0 : i32
      %dma_start3A_13 = arith.constant 0 : i32
      %dma_start3A_14 = tpu.memref_slice %arg4[%add3A, %dma_start3A, %dma_start3A_12, %dma_start3A_13] : memref<32x2x80x128xi32, #tpu.memory_space<hbm>> -> memref<1x2x80x128xi32, #tpu.memory_space<hbm>>
      %dma_start3A_15 = tpu.memref_squeeze %dma_start3A_14 : memref<1x2x80x128xi32, #tpu.memory_space<hbm>> -> memref<2x80x128xi32, #tpu.memory_space<hbm>>
      %dma_start3A_16 = arith.constant 0 : i32
      %dma_start3A_17 = arith.constant 0 : i32
      %dma_start3A_18 = arith.constant 0 : i32
      %dma_start3A_19 = tpu.memref_slice %arg4[%add3A, %dma_start3A_16, %dma_start3A_17, %dma_start3A_18] : memref<32x2x80x128xi32, #tpu.memory_space<hbm>> -> memref<1x2x80x128xi32, #tpu.memory_space<hbm>>
      %dma_start3A_20 = tpu.memref_squeeze %dma_start3A_19 : memref<1x2x80x128xi32, #tpu.memory_space<hbm>> -> memref<2x80x128xi32, #tpu.memory_space<hbm>>
      tpu.enqueue_dma source(%dma_start3A_20 : memref<2x80x128xi32, #tpu.memory_space<hbm>>) target(%arg6 : memref<2x80x128xi32, #tpu.memory_space<vmem>>) target_semaphore(%run_scoped3A : memref<!tpu.dma_semaphore, #tpu.memory_space<semaphore_mem>>)
      %dma_wait3A = arith.constant 0 : i32
      %dma_wait3A_21 = arith.constant 0 : i32
      %dma_wait3A_22 = arith.constant 0 : i32
      %dma_wait3A_23 = tpu.memref_slice %arg4[%add3A, %dma_wait3A, %dma_wait3A_21, %dma_wait3A_22] : memref<32x2x80x128xi32, #tpu.memory_space<hbm>> -> memref<1x2x80x128xi32, #tpu.memory_space<hbm>>
      %dma_wait3A_24 = tpu.memref_squeeze %dma_wait3A_23 : memref<1x2x80x128xi32, #tpu.memory_space<hbm>> -> memref<2x80x128xi32, #tpu.memory_space<hbm>>
      %dma_wait3A_25 = arith.constant 0 : i32
      %dma_wait3A_26 = arith.constant 0 : i32
      %dma_wait3A_27 = arith.constant 0 : i32
      %dma_wait3A_28 = tpu.memref_slice %arg4[%add3A, %dma_wait3A_25, %dma_wait3A_26, %dma_wait3A_27] : memref<32x2x80x128xi32, #tpu.memory_space<hbm>> -> memref<1x2x80x128xi32, #tpu.memory_space<hbm>>
      %dma_wait3A_29 = tpu.memref_squeeze %dma_wait3A_28 : memref<1x2x80x128xi32, #tpu.memory_space<hbm>> -> memref<2x80x128xi32, #tpu.memory_space<hbm>>
      tpu.wait_dma2 semaphore(%run_scoped3A : memref<!tpu.dma_semaphore, #tpu.memory_space<semaphore_mem>>) src(%dma_wait3A_29 : memref<2x80x128xi32, #tpu.memory_space<hbm>>) dst(%arg6 : memref<2x80x128xi32, #tpu.memory_space<vmem>>)
      tpu.yield
    }) : () -> ()
    %mul3A_1 = arith.constant 640 : i32
    %mul3A_2 = arith.muli %arg1, %mul3A_1 : i32
    "tpu.region"() ({
      %run_scoped3A = tpu.sem_alloc : memref<!tpu.dma_semaphore, #tpu.memory_space<semaphore_mem>>
      %dma_start3A = arith.constant 0 : i32
      %dma_start3A_12 = tpu.memref_slice %arg8[%mul3A_2, %dma_start3A] : memref<10240x128xf32, #tpu.memory_space<vmem_shared>> -> memref<640x128xf32, #tpu.memory_space<vmem_shared>>
      tpu.enqueue_dma source(%arg2 : memref<640x128xf32, #tpu.memory_space<hbm>>) target(%dma_start3A_12 : memref<640x128xf32, #tpu.memory_space<vmem_shared>>) target_semaphore(%run_scoped3A : memref<!tpu.dma_semaphore, #tpu.memory_space<semaphore_mem>>)
      %dma_wait3A = arith.constant 0 : i32
      %dma_wait3A_13 = tpu.memref_slice %arg8[%mul3A_2, %dma_wait3A] : memref<10240x128xf32, #tpu.memory_space<vmem_shared>> -> memref<640x128xf32, #tpu.memory_space<vmem_shared>>
      tpu.wait_dma2 semaphore(%run_scoped3A : memref<!tpu.dma_semaphore, #tpu.memory_space<semaphore_mem>>) src(%arg2 : memref<640x128xf32, #tpu.memory_space<hbm>>) dst(%dma_wait3A_13 : memref<640x128xf32, #tpu.memory_space<vmem_shared>>)
      tpu.yield
    }) : () -> ()
    %barrier3A = arith.constant 0 : index
    tpu.barrier barrier_id(%barrier3A)
    %scan3A = arith.constant 0 : i32
    %scan3A_3 = arith.constant 80 : i32
    %scan3A_4 = arith.addi %scan3A, %scan3A_3 : i32
    %scan3A_5 = arith.constant 1 : i32
    scf.for %scan3A_12 = %scan3A to %scan3A_4 step %scan3A_5  : i32 {
      %mul3A_13 = arith.constant 1 : i32
      %mul3A_14 = arith.muli %scan3A_12, %mul3A_13 : i32
      %add3A_15 = arith.constant 0 : i32
      %add3A_16 = arith.addi %add3A_15, %mul3A_14 : i32
      %dma_start3A = arith.constant 0 : i32
      %dma_start3A_17 = arith.constant 0 : i32
      %dma_start3A_18 = arith.constant 0 : i32
      %dma_start3A_19 = arith.constant 0 : i32
      %dma_start3A_20 = arith.constant 0 : i32
      %dma_start3A_21 = tpu.memref_slice %arg7[%dma_start3A_17, %dma_start3A_19, %dma_start3A_20] : memref<1x128x128xf32, #tpu.memory_space<vmem>> -> memref<1x128x128xf32, #tpu.memory_space<vmem>>
      %dma_start3A_22 = tpu.memref_squeeze %dma_start3A_21 : memref<1x128x128xf32, #tpu.memory_space<vmem>> -> memref<128x128xf32, #tpu.memory_space<vmem>>
      %dma_start3A_23 = arith.constant 0 : i32
      %dma_start3A_24 = arith.constant 0 : i32
      %dma_start3A_25 = tpu.memref_slice %arg6[%dma_start3A, %dma_start3A_23, %dma_start3A_24] : memref<2x80x128xi32, #tpu.memory_space<vmem>> -> memref<1x80x128xi32, #tpu.memory_space<vmem>>
      %dma_start3A_26 = tpu.memref_squeeze %dma_start3A_25 : memref<1x80x128xi32, #tpu.memory_space<vmem>> -> memref<80x128xi32, #tpu.memory_space<vmem>>
      %dma_start3A_27 = arith.constant 0 : i32
      %dma_start3A_28 = tpu.memref_slice %dma_start3A_26[%add3A_16, %dma_start3A_27] : memref<80x128xi32, #tpu.memory_space<vmem>> -> memref<1x128xi32, #tpu.memory_space<vmem>>
      %dma_start3A_29 = tpu.memref_squeeze %dma_start3A_28 : memref<1x128xi32, #tpu.memory_space<vmem>> -> memref<128xi32, #tpu.memory_space<vmem>>
      %dma_start3A_30 = arith.constant 0 : i32
      %dma_start3A_31 = arith.constant 0 : i32
      %dma_start3A_32 = tpu.memref_slice %arg3[%dma_start3A_30, %dma_start3A_31] : memref<10240x128xf32, #tpu.memory_space<hbm>> -> memref<10240x128xf32, #tpu.memory_space<hbm>>
      %dma_start3A_33 = tpu.memref_slice %arg9[%dma_start3A_18] : memref<1x!tpu.dma_semaphore, #tpu.memory_space<semaphore_mem>> -> memref<1x!tpu.dma_semaphore, #tpu.memory_space<semaphore_mem>>
      %dma_start3A_34 = tpu.memref_squeeze %dma_start3A_33 : memref<1x!tpu.dma_semaphore, #tpu.memory_space<semaphore_mem>> -> memref<!tpu.dma_semaphore, #tpu.memory_space<semaphore_mem>>
      tpu.enqueue_indirect_dma source(%dma_start3A_32 : memref<10240x128xf32, #tpu.memory_space<hbm>>) target(%dma_start3A_22 : memref<128x128xf32, #tpu.memory_space<vmem>>) offsets(%dma_start3A_29 : memref<128xi32, #tpu.memory_space<vmem>>) semaphore(%dma_start3A_34 : memref<!tpu.dma_semaphore, #tpu.memory_space<semaphore_mem>>)
      %dma_wait3A = arith.constant 0 : i32
      %dma_wait3A_35 = arith.constant 0 : i32
      %dma_wait3A_36 = arith.constant 0 : i32
      %dma_wait3A_37 = arith.constant 0 : i32
      %dma_wait3A_38 = arith.constant 0 : i32
      %dma_wait3A_39 = tpu.memref_slice %arg7[%dma_wait3A_35, %dma_wait3A_37, %dma_wait3A_38] : memref<1x128x128xf32, #tpu.memory_space<vmem>> -> memref<1x128x128xf32, #tpu.memory_space<vmem>>
      %dma_wait3A_40 = tpu.memref_squeeze %dma_wait3A_39 : memref<1x128x128xf32, #tpu.memory_space<vmem>> -> memref<128x128xf32, #tpu.memory_space<vmem>>
      %dma_wait3A_41 = arith.constant 0 : i32
      %dma_wait3A_42 = arith.constant 0 : i32
      %dma_wait3A_43 = tpu.memref_slice %arg6[%dma_wait3A, %dma_wait3A_41, %dma_wait3A_42] : memref<2x80x128xi32, #tpu.memory_space<vmem>> -> memref<1x80x128xi32, #tpu.memory_space<vmem>>
      %dma_wait3A_44 = tpu.memref_squeeze %dma_wait3A_43 : memref<1x80x128xi32, #tpu.memory_space<vmem>> -> memref<80x128xi32, #tpu.memory_space<vmem>>
      %dma_wait3A_45 = arith.constant 0 : i32
      %dma_wait3A_46 = tpu.memref_slice %dma_wait3A_44[%add3A_16, %dma_wait3A_45] : memref<80x128xi32, #tpu.memory_space<vmem>> -> memref<1x128xi32, #tpu.memory_space<vmem>>
      %dma_wait3A_47 = tpu.memref_squeeze %dma_wait3A_46 : memref<1x128xi32, #tpu.memory_space<vmem>> -> memref<128xi32, #tpu.memory_space<vmem>>
      %dma_wait3A_48 = arith.constant 0 : i32
      %dma_wait3A_49 = arith.constant 0 : i32
      %dma_wait3A_50 = tpu.memref_slice %arg3[%dma_wait3A_48, %dma_wait3A_49] : memref<10240x128xf32, #tpu.memory_space<hbm>> -> memref<10240x128xf32, #tpu.memory_space<hbm>>
      %dma_wait3A_51 = tpu.memref_slice %arg9[%dma_wait3A_36] : memref<1x!tpu.dma_semaphore, #tpu.memory_space<semaphore_mem>> -> memref<1x!tpu.dma_semaphore, #tpu.memory_space<semaphore_mem>>
      %dma_wait3A_52 = tpu.memref_squeeze %dma_wait3A_51 : memref<1x!tpu.dma_semaphore, #tpu.memory_space<semaphore_mem>> -> memref<!tpu.dma_semaphore, #tpu.memory_space<semaphore_mem>>
      tpu.wait_indirect_dma semaphore(%dma_wait3A_52 : memref<!tpu.dma_semaphore, #tpu.memory_space<semaphore_mem>>) src(%dma_wait3A_50 : memref<10240x128xf32, #tpu.memory_space<hbm>>) dst(%dma_wait3A_40 : memref<128x128xf32, #tpu.memory_space<vmem>>)
      %run_scoped3A = arith.constant 0 : i32
      %run_scoped3A_53 = arith.constant 1 : i32
      "tpu.region"() ({
        %run_scoped3A_54 = tpu.sem_alloc : memref<!tpu.dma_semaphore, #tpu.memory_space<semaphore_mem>>
        %dma_start3A_55 = arith.constant 0 : i32
        %dma_start3A_56 = arith.constant 0 : i32
        %dma_start3A_57 = tpu.memref_slice %arg7[%run_scoped3A, %dma_start3A_55, %dma_start3A_56] : memref<1x128x128xf32, #tpu.memory_space<vmem>> -> memref<1x128x128xf32, #tpu.memory_space<vmem>>
        %dma_start3A_58 = tpu.memref_squeeze %dma_start3A_57 : memref<1x128x128xf32, #tpu.memory_space<vmem>> -> memref<128x128xf32, #tpu.memory_space<vmem>>
        %dma_start3A_59 = arith.constant 0 : i32
        %dma_start3A_60 = arith.constant 0 : i32
        %dma_start3A_61 = tpu.memref_slice %arg6[%run_scoped3A_53, %dma_start3A_59, %dma_start3A_60] : memref<2x80x128xi32, #tpu.memory_space<vmem>> -> memref<1x80x128xi32, #tpu.memory_space<vmem>>
        %dma_start3A_62 = tpu.memref_squeeze %dma_start3A_61 : memref<1x80x128xi32, #tpu.memory_space<vmem>> -> memref<80x128xi32, #tpu.memory_space<vmem>>
        %dma_start3A_63 = arith.constant 0 : i32
        %dma_start3A_64 = tpu.memref_slice %dma_start3A_62[%add3A_16, %dma_start3A_63] : memref<80x128xi32, #tpu.memory_space<vmem>> -> memref<1x128xi32, #tpu.memory_space<vmem>>
        %dma_start3A_65 = tpu.memref_squeeze %dma_start3A_64 : memref<1x128xi32, #tpu.memory_space<vmem>> -> memref<128xi32, #tpu.memory_space<vmem>>
        %dma_start3A_66 = arith.constant 0 : i32
        %dma_start3A_67 = arith.constant 0 : i32
        %dma_start3A_68 = tpu.memref_slice %arg8[%dma_start3A_66, %dma_start3A_67] : memref<10240x128xf32, #tpu.memory_space<vmem_shared>> -> memref<10240x128xf32, #tpu.memory_space<vmem_shared>>
        tpu.enqueue_indirect_dma source(%dma_start3A_58 : memref<128x128xf32, #tpu.memory_space<vmem>>) target(%dma_start3A_68 : memref<10240x128xf32, #tpu.memory_space<vmem_shared>>) offsets(%dma_start3A_65 : memref<128xi32, #tpu.memory_space<vmem>>) semaphore(%run_scoped3A_54 : memref<!tpu.dma_semaphore, #tpu.memory_space<semaphore_mem>>) {add = true}
        %dma_wait3A_69 = arith.constant 0 : i32
        %dma_wait3A_70 = arith.constant 0 : i32
        %dma_wait3A_71 = tpu.memref_slice %arg7[%run_scoped3A, %dma_wait3A_69, %dma_wait3A_70] : memref<1x128x128xf32, #tpu.memory_space<vmem>> -> memref<1x128x128xf32, #tpu.memory_space<vmem>>
        %dma_wait3A_72 = tpu.memref_squeeze %dma_wait3A_71 : memref<1x128x128xf32, #tpu.memory_space<vmem>> -> memref<128x128xf32, #tpu.memory_space<vmem>>
        %dma_wait3A_73 = arith.constant 0 : i32
        %dma_wait3A_74 = arith.constant 0 : i32
        %dma_wait3A_75 = tpu.memref_slice %arg6[%run_scoped3A_53, %dma_wait3A_73, %dma_wait3A_74] : memref<2x80x128xi32, #tpu.memory_space<vmem>> -> memref<1x80x128xi32, #tpu.memory_space<vmem>>
        %dma_wait3A_76 = tpu.memref_squeeze %dma_wait3A_75 : memref<1x80x128xi32, #tpu.memory_space<vmem>> -> memref<80x128xi32, #tpu.memory_space<vmem>>
        %dma_wait3A_77 = arith.constant 0 : i32
        %dma_wait3A_78 = tpu.memref_slice %dma_wait3A_76[%add3A_16, %dma_wait3A_77] : memref<80x128xi32, #tpu.memory_space<vmem>> -> memref<1x128xi32, #tpu.memory_space<vmem>>
        %dma_wait3A_79 = tpu.memref_squeeze %dma_wait3A_78 : memref<1x128xi32, #tpu.memory_space<vmem>> -> memref<128xi32, #tpu.memory_space<vmem>>
        %dma_wait3A_80 = arith.constant 0 : i32
        %dma_wait3A_81 = arith.constant 0 : i32
        %dma_wait3A_82 = tpu.memref_slice %arg8[%dma_wait3A_80, %dma_wait3A_81] : memref<10240x128xf32, #tpu.memory_space<vmem_shared>> -> memref<10240x128xf32, #tpu.memory_space<vmem_shared>>
        tpu.wait_indirect_dma semaphore(%run_scoped3A_54 : memref<!tpu.dma_semaphore, #tpu.memory_space<semaphore_mem>>) src(%dma_wait3A_72 : memref<128x128xf32, #tpu.memory_space<vmem>>) dst(%dma_wait3A_82 : memref<10240x128xf32, #tpu.memory_space<vmem_shared>>)
        tpu.yield
      }) : () -> ()
    }
    %scan3A_6 = arith.constant 80 : i32
    %barrier3A_7 = arith.constant 0 : index
    tpu.barrier barrier_id(%barrier3A_7)
    %mul3A_8 = arith.constant 640 : i32
    %mul3A_9 = arith.muli %arg1, %mul3A_8 : i32
    %mul3A_10 = arith.constant 640 : i32
    %mul3A_11 = arith.muli %arg1, %mul3A_10 : i32
    "tpu.region"() ({
      %run_scoped3A = tpu.sem_alloc : memref<!tpu.dma_semaphore, #tpu.memory_space<semaphore_mem>>
      %dma_start3A = arith.constant 0 : i32
      %dma_start3A_12 = tpu.memref_slice %arg5[%arg0, %mul3A_11, %dma_start3A] : memref<2x10240x128xf32, #tpu.memory_space<hbm>> -> memref<1x640x128xf32, #tpu.memory_space<hbm>>
      %dma_start3A_13 = tpu.memref_squeeze %dma_start3A_12 : memref<1x640x128xf32, #tpu.memory_space<hbm>> -> memref<640x128xf32, #tpu.memory_space<hbm>>
      %dma_start3A_14 = arith.constant 0 : i32
      %dma_start3A_15 = tpu.memref_slice %arg8[%mul3A_9, %dma_start3A_14] : memref<10240x128xf32, #tpu.memory_space<vmem_shared>> -> memref<640x128xf32, #tpu.memory_space<vmem_shared>>
      tpu.enqueue_dma source(%dma_start3A_15 : memref<640x128xf32, #tpu.memory_space<vmem_shared>>) target(%dma_start3A_13 : memref<640x128xf32, #tpu.memory_space<hbm>>) target_semaphore(%run_scoped3A : memref<!tpu.dma_semaphore, #tpu.memory_space<semaphore_mem>>)
      %dma_wait3A = arith.constant 0 : i32
      %dma_wait3A_16 = tpu.memref_slice %arg5[%arg0, %mul3A_11, %dma_wait3A] : memref<2x10240x128xf32, #tpu.memory_space<hbm>> -> memref<1x640x128xf32, #tpu.memory_space<hbm>>
      %dma_wait3A_17 = tpu.memref_squeeze %dma_wait3A_16 : memref<1x640x128xf32, #tpu.memory_space<hbm>> -> memref<640x128xf32, #tpu.memory_space<hbm>>
      %dma_wait3A_18 = arith.constant 0 : i32
      %dma_wait3A_19 = tpu.memref_slice %arg8[%mul3A_9, %dma_wait3A_18] : memref<10240x128xf32, #tpu.memory_space<vmem_shared>> -> memref<640x128xf32, #tpu.memory_space<vmem_shared>>
      tpu.wait_dma2 semaphore(%run_scoped3A : memref<!tpu.dma_semaphore, #tpu.memory_space<semaphore_mem>>) src(%dma_wait3A_19 : memref<640x128xf32, #tpu.memory_space<vmem_shared>>) dst(%dma_wait3A_17 : memref<640x128xf32, #tpu.memory_space<hbm>>)
      tpu.yield
    }) : () -> ()
    return
  }
}

module attributes {stable_mosaic.version = 14 : i64} {
  func.func @_tc_mm_body(%arg0: i32, %arg1: memref<1024x128xf32, #tpu.memory_space<vmem>>, %arg2: memref<128x128xf32, #tpu.memory_space<vmem>>, %arg3: memref<1024x128xf32, #tpu.memory_space<vmem>>) attributes {dimension_semantics = [#tpu.dimension_semantics<arbitrary>], iteration_bounds = array<i64: 10>, scalar_prefetch = 0 : i64, scratch_operands = 0 : i64, tpu.core_type = #tpu.core_type<tc>, window_params = [{transform_indices = @transform_0, window_bounds = array<i64: 1024, 128>}, {pipeline_mode = #tpu.pipeline_mode<synchronous>, transform_indices = @transform_1, window_bounds = array<i64: 128, 128>}, {transform_indices = @transform_2, window_bounds = array<i64: 1024, 128>}]} {
    %get3A = arith.constant 0 : index
    %get3A_0 = arith.constant 0 : index
    %get3A_1 = vector.load %arg1[%get3A, %get3A_0] : memref<1024x128xf32, #tpu.memory_space<vmem>>, vector<1024x128xf32>
    %get3A_2 = arith.constant 0 : index
    %get3A_3 = arith.constant 0 : index
    %get3A_4 = vector.load %arg2[%get3A_2, %get3A_3] : memref<128x128xf32, #tpu.memory_space<vmem>>, vector<128x128xf32>
    %dot_general3A = arith.constant dense<0.000000e+00> : vector<1024x128xf32>
    %dot_general3A_5 = tpu.matmul %get3A_1, %get3A_4, %dot_general3A {dimension_numbers = #tpu.dot_dimension_numbers<[1], [0], [0], [1], [0, 0, 1, 1], [], []>, transpose_lhs_hint = false} : vector<1024x128xf32>, vector<128x128xf32>, vector<1024x128xf32> -> vector<1024x128xf32>
    %swap3A = arith.constant 0 : index
    %swap3A_6 = arith.constant 0 : index
    %swap3A_7 = vector.load %arg3[%swap3A, %swap3A_6] : memref<1024x128xf32, #tpu.memory_space<vmem>>, vector<1024x128xf32>
    tpu.vector_store %arg3[%swap3A, %swap3A_6], %dot_general3A_5 {strides = array<i32>} : memref<1024x128xf32, #tpu.memory_space<vmem>>, vector<1024x128xf32>,
    return
  }
  func.func @transform_0(%arg0: i32) -> (i32, i32) {
    %c0_i32 = arith.constant 0 : i32
    %c0_i32_0 = arith.constant 0 : i32
    return %arg0, %c0_i32 : i32, i32
  }
  func.func @transform_1(%arg0: i32) -> (i32, i32) {
    %c0_i32 = arith.constant 0 : i32
    %c0_i32_0 = arith.constant 0 : i32
    %c0_i32_1 = arith.constant 0 : i32
    return %c0_i32, %c0_i32_0 : i32, i32
  }
  func.func @transform_2(%arg0: i32) -> (i32, i32) {
    %c0_i32 = arith.constant 0 : i32
    %c0_i32_0 = arith.constant 0 : i32
    return %arg0, %c0_i32 : i32, i32
  }
}

module attributes {stable_mosaic.version = 14 : i64} {
  func.func @_tc_u_body(%arg0: i32, %arg1: memref<2x1024x128xf32, #tpu.memory_space<vmem>>, %arg2: memref<1024x128xf32, #tpu.memory_space<vmem>>, %arg3: memref<1024x1xf32, #tpu.memory_space<vmem>>, %arg4: memref<1024x128xf32, #tpu.memory_space<vmem>>) attributes {dimension_semantics = [#tpu.dimension_semantics<arbitrary>], iteration_bounds = array<i64: 10>, scalar_prefetch = 0 : i64, scratch_operands = 0 : i64, tpu.core_type = #tpu.core_type<tc>, window_params = [{transform_indices = @transform_0, window_bounds = array<i64: 2, 1024, 128>}, {transform_indices = @transform_1, window_bounds = array<i64: 1024, 128>}, {transform_indices = @transform_2, window_bounds = array<i64: 1024, 1>}, {transform_indices = @transform_3, window_bounds = array<i64: 1024, 128>}]} {
    %get3A = arith.constant 0 : index
    %get3A_0 = arith.constant 0 : index
    %get3A_1 = arith.constant 0 : index
    %get3A_2 = vector.load %arg1[%get3A, %get3A_0, %get3A_1] : memref<2x1024x128xf32, #tpu.memory_space<vmem>>, vector<1x1024x1xf32>
    %get3A_3 = vector.shape_cast %get3A_2 : vector<1x1024x1xf32> to vector<1024xf32>
    %get3A_4 = arith.constant 1 : index
    %get3A_5 = arith.constant 0 : index
    %get3A_6 = arith.constant 0 : index
    %get3A_7 = vector.load %arg1[%get3A_4, %get3A_5, %get3A_6] : memref<2x1024x128xf32, #tpu.memory_space<vmem>>, vector<1x1024x1xf32>
    %get3A_8 = vector.shape_cast %get3A_7 : vector<1x1024x1xf32> to vector<1024xf32>
    %add3A = arith.addf %get3A_3, %get3A_8 : vector<1024xf32>
    %add3A_9 = arith.constant 1.000000e+00 : f32
    %add3A_10 = vector.broadcast %add3A_9 : f32 to vector<1024xf32>
    %add3A_11 = arith.addf %add3A_10, %add3A : vector<1024xf32>
    %rsqrt3A = math.rsqrt %add3A_11 : vector<1024xf32>
    %broadcast_in_dim3A = vector.shape_cast %rsqrt3A : vector<1024xf32> to vector<1024x1xf32>
    %swap3A = arith.constant 0 : index
    %swap3A_12 = arith.constant 0 : index
    %swap3A_13 = vector.load %arg3[%swap3A, %swap3A_12] : memref<1024x1xf32, #tpu.memory_space<vmem>>, vector<1024x1xf32>
    tpu.vector_store %arg3[%swap3A, %swap3A_12], %broadcast_in_dim3A {strides = array<i32>} : memref<1024x1xf32, #tpu.memory_space<vmem>>, vector<1024x1xf32>,
    %get3A_14 = arith.constant 0 : index
    %get3A_15 = arith.constant 0 : index
    %get3A_16 = vector.load %arg2[%get3A_14, %get3A_15] : memref<1024x128xf32, #tpu.memory_space<vmem>>, vector<1024x128xf32>
    %mul3A = vector.broadcast %broadcast_in_dim3A : vector<1024x1xf32> to vector<1024x128xf32>
    %mul3A_17 = arith.mulf %mul3A, %get3A_16 : vector<1024x128xf32>
    %swap3A_18 = arith.constant 0 : index
    %swap3A_19 = arith.constant 0 : index
    %swap3A_20 = vector.load %arg4[%swap3A_18, %swap3A_19] : memref<1024x128xf32, #tpu.memory_space<vmem>>, vector<1024x128xf32>
    tpu.vector_store %arg4[%swap3A_18, %swap3A_19], %mul3A_17 {strides = array<i32>} : memref<1024x128xf32, #tpu.memory_space<vmem>>, vector<1024x128xf32>,
    return
  }
  func.func @transform_0(%arg0: i32) -> (i32, i32, i32) {
    %c0_i32 = arith.constant 0 : i32
    %c0_i32_0 = arith.constant 0 : i32
    %c0_i32_1 = arith.constant 0 : i32
    return %c0_i32, %arg0, %c0_i32_0 : i32, i32, i32
  }
  func.func @transform_1(%arg0: i32) -> (i32, i32) {
    %c0_i32 = arith.constant 0 : i32
    %c0_i32_0 = arith.constant 0 : i32
    return %arg0, %c0_i32 : i32, i32
  }
  func.func @transform_2(%arg0: i32) -> (i32, i32) {
    %c0_i32 = arith.constant 0 : i32
    %c0_i32_0 = arith.constant 0 : i32
    return %arg0, %c0_i32 : i32, i32
  }
  func.func @transform_3(%arg0: i32) -> (i32, i32) {
    %c0_i32 = arith.constant 0 : i32
    %c0_i32_0 = arith.constant 0 : i32
    return %arg0, %c0_i32 : i32, i32
  }
}

module attributes {stable_mosaic.version = 14 : i64} {
  func.func @_tc_epi_body(%arg0: i32, %arg1: memref<2x1024x128xf32, #tpu.memory_space<vmem>>, %arg2: memref<1024x128xf32, #tpu.memory_space<vmem>>, %arg3: memref<1024x1xf32, #tpu.memory_space<vmem>>, %arg4: memref<1x128xf32, #tpu.memory_space<vmem>>, %arg5: memref<1x128xf32, #tpu.memory_space<vmem>>, %arg6: memref<1x128xf32, #tpu.memory_space<vmem>>, %arg7: memref<128x128xf32, #tpu.memory_space<vmem>>, %arg8: memref<1024x128xf32, #tpu.memory_space<vmem>>) attributes {dimension_semantics = [#tpu.dimension_semantics<arbitrary>], iteration_bounds = array<i64: 10>, scalar_prefetch = 0 : i64, scratch_operands = 0 : i64, tpu.core_type = #tpu.core_type<tc>, window_params = [{transform_indices = @transform_0, window_bounds = array<i64: 2, 1024, 128>}, {transform_indices = @transform_1, window_bounds = array<i64: 1024, 128>}, {transform_indices = @transform_2, window_bounds = array<i64: 1024, 1>}, {pipeline_mode = #tpu.pipeline_mode<synchronous>, transform_indices = @transform_3, window_bounds = array<i64: 1, 128>}, {pipeline_mode = #tpu.pipeline_mode<synchronous>, transform_indices = @transform_4, window_bounds = array<i64: 1, 128>}, {pipeline_mode = #tpu.pipeline_mode<synchronous>, transform_indices = @transform_5, window_bounds = array<i64: 1, 128>}, {pipeline_mode = #tpu.pipeline_mode<synchronous>, transform_indices = @transform_6, window_bounds = array<i64: 128, 128>}, {transform_indices = @transform_7, window_bounds = array<i64: 1024, 128>}]} {
    %get3A = arith.constant 0 : index
    %get3A_0 = arith.constant 0 : index
    %get3A_1 = vector.load %arg3[%get3A, %get3A_0] : memref<1024x1xf32, #tpu.memory_space<vmem>>, vector<1024x1xf32>
    %get3A_2 = arith.constant 0 : index
    %get3A_3 = arith.constant 0 : index
    %get3A_4 = arith.constant 0 : index
    %get3A_5 = vector.load %arg1[%get3A_2, %get3A_3, %get3A_4] : memref<2x1024x128xf32, #tpu.memory_space<vmem>>, vector<1x1024x128xf32>
    %get3A_6 = vector.shape_cast %get3A_5 : vector<1x1024x128xf32> to vector<1024x128xf32>
    %get3A_7 = arith.constant 1 : index
    %get3A_8 = arith.constant 0 : index
    %get3A_9 = arith.constant 0 : index
    %get3A_10 = vector.load %arg1[%get3A_7, %get3A_8, %get3A_9] : memref<2x1024x128xf32, #tpu.memory_space<vmem>>, vector<1x1024x128xf32>
    %get3A_11 = vector.shape_cast %get3A_10 : vector<1x1024x128xf32> to vector<1024x128xf32>
    %add3A = arith.addf %get3A_6, %get3A_11 : vector<1024x128xf32>
    %get3A_12 = arith.constant 0 : index
    %get3A_13 = arith.constant 0 : index
    %get3A_14 = vector.load %arg2[%get3A_12, %get3A_13] : memref<1024x128xf32, #tpu.memory_space<vmem>>, vector<1024x128xf32>
    %add3A_15 = arith.addf %add3A, %get3A_14 : vector<1024x128xf32>
    %mul3A = vector.broadcast %get3A_1 : vector<1024x1xf32> to vector<1024x128xf32>
    %mul3A_16 = arith.mulf %mul3A, %add3A_15 : vector<1024x128xf32>
    %get3A_17 = arith.constant 0 : index
    %get3A_18 = arith.constant 0 : index
    %get3A_19 = vector.load %arg4[%get3A_17, %get3A_18] : memref<1x128xf32, #tpu.memory_space<vmem>>, vector<1x128xf32>
    %add3A_20 = vector.broadcast %get3A_19 : vector<1x128xf32> to vector<1024x128xf32>
    %add3A_21 = arith.addf %mul3A_16, %add3A_20 : vector<1024x128xf32>
    %max3A = arith.constant 0.000000e+00 : f32
    %max3A_22 = vector.broadcast %max3A : f32 to vector<1024x128xf32>
    %max3A_23 = arith.maximumf %add3A_21, %max3A_22 : vector<1024x128xf32>
    %reduce_sum3A = arith.constant dense<0.000000e+00> : vector<1024xf32>
    %reduce_sum3A_24 = vector.multi_reduction <add>, %max3A_23, %reduce_sum3A [1] : vector<1024x128xf32> to vector<1024xf32>
    %broadcast_in_dim3A = vector.shape_cast %reduce_sum3A_24 : vector<1024xf32> to vector<1024x1xf32>
    %div3A = arith.constant 1.280000e+02 : f32
    %div3A_25 = vector.broadcast %div3A : f32 to vector<1024x1xf32>
    %div3A_26 = arith.divf %broadcast_in_dim3A, %div3A_25 : vector<1024x1xf32>
    %sub3A = vector.broadcast %div3A_26 : vector<1024x1xf32> to vector<1024x128xf32>
    %sub3A_27 = arith.subf %max3A_23, %sub3A : vector<1024x128xf32>
    %integer_pow3A = arith.mulf %sub3A_27, %sub3A_27 : vector<1024x128xf32>
    %reduce_sum3A_28 = arith.constant dense<0.000000e+00> : vector<1024xf32>
    %reduce_sum3A_29 = vector.multi_reduction <add>, %integer_pow3A, %reduce_sum3A_28 [1] : vector<1024x128xf32> to vector<1024xf32>
    %broadcast_in_dim3A_30 = vector.shape_cast %reduce_sum3A_29 : vector<1024xf32> to vector<1024x1xf32>
    %div3A_31 = arith.constant 1.280000e+02 : f32
    %div3A_32 = vector.broadcast %div3A_31 : f32 to vector<1024x1xf32>
    %div3A_33 = arith.divf %broadcast_in_dim3A_30, %div3A_32 : vector<1024x1xf32>
    %sub3A_34 = vector.broadcast %div3A_26 : vector<1024x1xf32> to vector<1024x128xf32>
    %sub3A_35 = arith.subf %max3A_23, %sub3A_34 : vector<1024x128xf32>
    %add3A_36 = arith.constant 9.99999974E-6 : f32
    %add3A_37 = vector.broadcast %add3A_36 : f32 to vector<1024x1xf32>
    %add3A_38 = arith.addf %div3A_33, %add3A_37 : vector<1024x1xf32>
    %rsqrt3A = math.rsqrt %add3A_38 : vector<1024x1xf32>
    %mul3A_39 = vector.broadcast %rsqrt3A : vector<1024x1xf32> to vector<1024x128xf32>
    %mul3A_40 = arith.mulf %sub3A_35, %mul3A_39 : vector<1024x128xf32>
    %get3A_41 = arith.constant 0 : index
    %get3A_42 = arith.constant 0 : index
    %get3A_43 = vector.load %arg5[%get3A_41, %get3A_42] : memref<1x128xf32, #tpu.memory_space<vmem>>, vector<1x128xf32>
    %mul3A_44 = vector.broadcast %get3A_43 : vector<1x128xf32> to vector<1024x128xf32>
    %mul3A_45 = arith.mulf %mul3A_40, %mul3A_44 : vector<1024x128xf32>
    %get3A_46 = arith.constant 0 : index
    %get3A_47 = arith.constant 0 : index
    %get3A_48 = vector.load %arg6[%get3A_46, %get3A_47] : memref<1x128xf32, #tpu.memory_space<vmem>>, vector<1x128xf32>
    %add3A_49 = vector.broadcast %get3A_48 : vector<1x128xf32> to vector<1024x128xf32>
    %add3A_50 = arith.addf %mul3A_45, %add3A_49 : vector<1024x128xf32>
    %get3A_51 = arith.constant 0 : index
    %get3A_52 = arith.constant 0 : index
    %get3A_53 = vector.load %arg7[%get3A_51, %get3A_52] : memref<128x128xf32, #tpu.memory_space<vmem>>, vector<128x128xf32>
    %dot_general3A = arith.constant dense<0.000000e+00> : vector<1024x128xf32>
    %dot_general3A_54 = tpu.matmul %add3A_50, %get3A_53, %dot_general3A {dimension_numbers = #tpu.dot_dimension_numbers<[1], [0], [0], [1], [0, 0, 1, 1], [], []>, transpose_lhs_hint = false} : vector<1024x128xf32>, vector<128x128xf32>, vector<1024x128xf32> -> vector<1024x128xf32>
    %mul3A_55 = vector.broadcast %get3A_1 : vector<1024x1xf32> to vector<1024x128xf32>
    %mul3A_56 = arith.mulf %mul3A_55, %dot_general3A_54 : vector<1024x128xf32>
    %swap3A = arith.constant 0 : index
    %swap3A_57 = arith.constant 0 : index
    %swap3A_58 = vector.load %arg8[%swap3A, %swap3A_57] : memref<1024x128xf32, #tpu.memory_space<vmem>>, vector<1024x128xf32>
    tpu.vector_store %arg8[%swap3A, %swap3A_57], %mul3A_56 {strides = array<i32>} : memref<1024x128xf32, #tpu.memory_space<vmem>>, vector<1024x128xf32>,
    return
  }
  func.func @transform_0(%arg0: i32) -> (i32, i32, i32) {
    %c0_i32 = arith.constant 0 : i32
    %c0_i32_0 = arith.constant 0 : i32
    %c0_i32_1 = arith.constant 0 : i32
    return %c0_i32, %arg0, %c0_i32_0 : i32, i32, i32
  }
  func.func @transform_1(%arg0: i32) -> (i32, i32) {
    %c0_i32 = arith.constant 0 : i32
    %c0_i32_0 = arith.constant 0 : i32
    return %arg0, %c0_i32 : i32, i32
  }
  func.func @transform_2(%arg0: i32) -> (i32, i32) {
    %c0_i32 = arith.constant 0 : i32
    %c0_i32_0 = arith.constant 0 : i32
    return %arg0, %c0_i32 : i32, i32
  }
  func.func @transform_3(%arg0: i32) -> (i32, i32) {
    %c0_i32 = arith.constant 0 : i32
    %c0_i32_0 = arith.constant 0 : i32
    %c0_i32_1 = arith.constant 0 : i32
    return %c0_i32, %c0_i32_0 : i32, i32
  }
  func.func @transform_4(%arg0: i32) -> (i32, i32) {
    %c0_i32 = arith.constant 0 : i32
    %c0_i32_0 = arith.constant 0 : i32
    %c0_i32_1 = arith.constant 0 : i32
    return %c0_i32, %c0_i32_0 : i32, i32
  }
  func.func @transform_5(%arg0: i32) -> (i32, i32) {
    %c0_i32 = arith.constant 0 : i32
    %c0_i32_0 = arith.constant 0 : i32
    %c0_i32_1 = arith.constant 0 : i32
    return %c0_i32, %c0_i32_0 : i32, i32
  }
  func.func @transform_6(%arg0: i32) -> (i32, i32) {
    %c0_i32 = arith.constant 0 : i32
    %c0_i32_0 = arith.constant 0 : i32
    %c0_i32_1 = arith.constant 0 : i32
    return %c0_i32, %c0_i32_0 : i32, i32
  }
  func.func @transform_7(%arg0: i32) -> (i32, i32) {
    %c0_i32 = arith.constant 0 : i32
    %c0_i32_0 = arith.constant 0 : i32
    return %arg0, %c0_i32 : i32, i32
  }
}

module attributes {stable_mosaic.version = 14 : i64} {
  func.func @_tc_fin_body(%arg0: i32, %arg1: memref<2x1024x128xf32, #tpu.memory_space<vmem>>, %arg2: memref<1024x128xf32, #tpu.memory_space<vmem>>, %arg3: memref<1024x1xf32, #tpu.memory_space<vmem>>, %arg4: memref<1x128xf32, #tpu.memory_space<vmem>>, %arg5: memref<1024x128xf32, #tpu.memory_space<vmem>>) attributes {dimension_semantics = [#tpu.dimension_semantics<arbitrary>], iteration_bounds = array<i64: 10>, scalar_prefetch = 0 : i64, scratch_operands = 0 : i64, tpu.core_type = #tpu.core_type<tc>, window_params = [{transform_indices = @transform_0, window_bounds = array<i64: 2, 1024, 128>}, {transform_indices = @transform_1, window_bounds = array<i64: 1024, 128>}, {transform_indices = @transform_2, window_bounds = array<i64: 1024, 1>}, {pipeline_mode = #tpu.pipeline_mode<synchronous>, transform_indices = @transform_3, window_bounds = array<i64: 1, 128>}, {transform_indices = @transform_4, window_bounds = array<i64: 1024, 128>}]} {
    %get3A = arith.constant 0 : index
    %get3A_0 = arith.constant 0 : index
    %get3A_1 = vector.load %arg3[%get3A, %get3A_0] : memref<1024x1xf32, #tpu.memory_space<vmem>>, vector<1024x1xf32>
    %get3A_2 = arith.constant 0 : index
    %get3A_3 = arith.constant 0 : index
    %get3A_4 = arith.constant 0 : index
    %get3A_5 = vector.load %arg1[%get3A_2, %get3A_3, %get3A_4] : memref<2x1024x128xf32, #tpu.memory_space<vmem>>, vector<1x1024x128xf32>
    %get3A_6 = vector.shape_cast %get3A_5 : vector<1x1024x128xf32> to vector<1024x128xf32>
    %get3A_7 = arith.constant 1 : index
    %get3A_8 = arith.constant 0 : index
    %get3A_9 = arith.constant 0 : index
    %get3A_10 = vector.load %arg1[%get3A_7, %get3A_8, %get3A_9] : memref<2x1024x128xf32, #tpu.memory_space<vmem>>, vector<1x1024x128xf32>
    %get3A_11 = vector.shape_cast %get3A_10 : vector<1x1024x128xf32> to vector<1024x128xf32>
    %add3A = arith.addf %get3A_6, %get3A_11 : vector<1024x128xf32>
    %get3A_12 = arith.constant 0 : index
    %get3A_13 = arith.constant 0 : index
    %get3A_14 = vector.load %arg2[%get3A_12, %get3A_13] : memref<1024x128xf32, #tpu.memory_space<vmem>>, vector<1024x128xf32>
    %add3A_15 = arith.addf %add3A, %get3A_14 : vector<1024x128xf32>
    %mul3A = vector.broadcast %get3A_1 : vector<1024x1xf32> to vector<1024x128xf32>
    %mul3A_16 = arith.mulf %mul3A, %add3A_15 : vector<1024x128xf32>
    %get3A_17 = arith.constant 0 : index
    %get3A_18 = arith.constant 0 : index
    %get3A_19 = vector.load %arg4[%get3A_17, %get3A_18] : memref<1x128xf32, #tpu.memory_space<vmem>>, vector<1x128xf32>
    %add3A_20 = vector.broadcast %get3A_19 : vector<1x128xf32> to vector<1024x128xf32>
    %add3A_21 = arith.addf %mul3A_16, %add3A_20 : vector<1024x128xf32>
    %swap3A = arith.constant 0 : index
    %swap3A_22 = arith.constant 0 : index
    %swap3A_23 = vector.load %arg5[%swap3A, %swap3A_22] : memref<1024x128xf32, #tpu.memory_space<vmem>>, vector<1024x128xf32>
    tpu.vector_store %arg5[%swap3A, %swap3A_22], %add3A_21 {strides = array<i32>} : memref<1024x128xf32, #tpu.memory_space<vmem>>, vector<1024x128xf32>,
    return
  }
  func.func @transform_0(%arg0: i32) -> (i32, i32, i32) {
    %c0_i32 = arith.constant 0 : i32
    %c0_i32_0 = arith.constant 0 : i32
    %c0_i32_1 = arith.constant 0 : i32
    return %c0_i32, %arg0, %c0_i32_0 : i32, i32, i32
  }
  func.func @transform_1(%arg0: i32) -> (i32, i32) {
    %c0_i32 = arith.constant 0 : i32
    %c0_i32_0 = arith.constant 0 : i32
    return %arg0, %c0_i32 : i32, i32
  }
  func.func @transform_2(%arg0: i32) -> (i32, i32) {
    %c0_i32 = arith.constant 0 : i32
    %c0_i32_0 = arith.constant 0 : i32
    return %arg0, %c0_i32 : i32, i32
  }
  func.func @transform_3(%arg0: i32) -> (i32, i32) {
    %c0_i32 = arith.constant 0 : i32
    %c0_i32_0 = arith.constant 0 : i32
    %c0_i32_1 = arith.constant 0 : i32
    return %c0_i32, %c0_i32_0 : i32, i32
  }
  func.func @transform_4(%arg0: i32) -> (i32, i32) {
    %c0_i32 = arith.constant 0 : i32
    %c0_i32_0 = arith.constant 0 : i32
    return %arg0, %c0_i32 : i32, i32
  }
}

</mosaic_0001>

<sc_bundles>
// kernel: kernel.11.cloned.1.call-start
scs
__scs_entry_jumppad:
0x0: {  	(pc) =	sbr.rel $0x88, $3  }
0x1: {  	(tag) =	ssettag $0x0;
	lr =	simm.s32 $0x1  }
0x2: {  	[smem:$0x3F95] =	sst lr;
	_ =	strace $0xD0000000  }
0x3: {  	_ = 	snop  }
0x4: {  	_ = 	snop  }
0x5: {  	_ = 	snop  }
0x6: {  	_ = 	snop  }
0x7: {  	_ = 	snop  }
__scs_overlays_trampoline_lowered:
0x8: {  	[smem:$0x3FA4] =	sst s0  }
0x9: {  	[smem:$0x3FA5] =	sst s1  }
0xa: {  	[smem:$0x3FA6] =	sst s2  }
0xb: {  	[smem:$0x3FA7] =	sst s3  }
0xc: {  	[smem:$0x3FA8] =	sst s4  }
0xd: {  	[smem:$0x3FA9] =	sst s5  }
0xe: {  	[smem:$0x3FAA] =	sst s6  }
0xf: {  	[smem:$0x3FAB] =	sst s7  }
0x10: {  	[smem:$0x3FAC] =	sst s8  }
0x11: {  	[smem:$0x3FAD] =	sst s9;
	s0 =	simm.s32 @!p0 $0x0  }
0x12: {  	s1 =	sld [smem:$0x3F93];
	s0 =	simm.s32 @p0 $0x1  }
0x13: {  	[smem:$0x3FAE] =	sst s0;
	s0 =	simm.s32 @!p1 $0x0  }
0x14: {  	s2 =	sld [smem:$0x3F92];
	s0 =	simm.s32 @p1 $0x1  }
0x15: {  	[smem:$0x3FAF] =	sst s0;
	s0 =	simm.s32 @!p2 $0x0  }
0x16: {  	s3 =	sld [smem:$0x3FDB];
	s0 =	simm.s32 @p2 $0x1  }
0x17: {  	s4 =	simm.s32 $0x1BF5;
	[smem:$0x3FB1] =	sst s0  }
0x18: {  	s0 =	sld [smem:$0x3F94];
	_ =	swait.ge [sflag:s4], $0x0  }
0x19: {  	s7 =	sld [smem:$0x3F95]  }
0x1a: {  	s8 =	sadd.s32 $0xFFFFE003, lr  }
0x1b: {  	s9 =	sadd.s32 $0xFFFFFEF7, lr;
	s5 =	simm.s32 $0xFFFFFFFF;
	p2 =	slt.u32 s8, $0xFFFFF086  }
0x1c: {  	p1 =	slt.u32 s9, $0xF7A;
	s5 =	simm.s32 @!p2 $0x0  }
0x1d: {  	s5 =	simm.s32 @p1 $0x1;
	p0 =	seq.s32 s7, s2  }
0x1e: {  	s7 =	smul.u32 @!p0 $0xF7A, s2;
	p2 =	seq.s32 @!p0 s5, $0x0  }
0x1f: {  	s9 =	smul.u32 $0xF7A, s1;
	s8 =	simm.s32 @!p0 $0x1BF5;
	p2 =	por !p2, p0  }
0x20: {  	[sflag:s8] =	ssyncset.s32 @!p0 $0xFFFFF086;
	s6 =	sadd.s32 @!p0 s3, s7;
	s7 =	simm.s32 @!p0 $0x108  }
0x21: {  	s3 =	sadd.s32 s3, s9;
	s6 =	sadd.s32 @!p0 $0x88, s6;
	s7 =	simm.s32 @p2 $0x1082  }
0x22: {  	[simem:s7], [sflag:s8] =	dma.local @!p0 [hbm:s6], $0xF7A  }
0x23: {  	s9 =	sor.u32 $0xD0000000, s2;
	s6 =	simm.s32 $0x108;
	_ =	swait.ge @!p0 [sflag:s8], $0x0  }
0x24: {  	s3 =	sadd.s32 $0x88, s3;
	s6 =	simm.s32 @!p1 $0x1082;
	[sflag:s4] =	ssyncset.s32 $0xFFFFF086  }
0x25: {  	[simem:s6], [sflag:s4] =	dma.local [hbm:s3], $0xF7A  }
0x26: {  	[smem:$0x3F95] =	sst s1;
	(tag) =	ssettag s2;
	_ =	strace s9  }
0x27: {  	s1 =	sld [smem:$0x3FA5]  }
0x28: {  	s2 =	sld [smem:$0x3FA6]  }
0x29: {  	s4 =	sld [smem:$0x3FA8]  }
0x2a: {  	p0 =	seq.s32 s5, $0x0;
	s5 =	sld [smem:$0x3FA9]  }
0x2b: {  	s6 =	sld [smem:$0x3FAA]  }
0x2c: {  	s7 =	sld [smem:$0x3FAB]  }
0x2d: {  	s3 =	simm.s32 $0x108;
	s8 =	sld [smem:$0x3FAC]  }
0x2e: {  	s3 =	simm.s32 @!p0 $0x1082;
	s9 =	sld [smem:$0x3FAD]  }
0x2f: {  	lr =	sadd.s32 s0, s3;
	s0 =	sld [smem:$0x3FA4]  }
0x30: {  	s3 =	sld [smem:$0x3FA7]  }
0x31: {  	[smem:$0x3FB0] =	sst s10  }
0x32: {  	s10 =	sld [smem:$0x3FAE];
	_ =	sdelay $0x3  }
0x33: {  	p0 =	seq.s32 s10, $0x1;
	s10 =	sld [smem:$0x3FB0];
	_ =	sdelay $0x3  }
0x34: {  	[smem:$0x3FB0] =	sst s10  }
0x35: {  	s10 =	sld [smem:$0x3FAF];
	_ =	sdelay $0x3  }
0x36: {  	p1 =	seq.s32 s10, $0x1;
	s10 =	sld [smem:$0x3FB0];
	_ =	sdelay $0x3  }
0x37: {  	[smem:$0x3FB0] =	sst s10  }
0x38: {  	s10 =	sld [smem:$0x3FB1]  }
0x39: {  	_ = 	snop;
	(pc) =	sbr.ind lr, $3  }
0x3a: {  	_ = 	snop  }
0x3b: {  	_ = 	snop  }
0x3c: {  	p2 =	seq.s32 s10, $0x1;
	s10 =	sld [smem:$0x3FB0]  }
0x3d: {  	_ =	shalt  }
0x3e: {  	_ =	shalt  }
0x3f: {  	_ =	shalt  }
0x40: {  	_ =	shalt  }
0x41: {  	_ =	shalt  }
0x42: {  	_ =	shalt  }
0x43: {  	_ =	shalt  }
0x44: {  	_ =	shalt  }
0x45: {  	_ =	shalt  }
0x46: {  	_ =	shalt  }
0x47: {  	_ =	shalt  }
0x48: {  	_ =	shalt  }
0x49: {  	_ =	shalt  }
0x4a: {  	_ =	shalt  }
0x4b: {  	_ =	shalt  }
0x4c: {  	_ =	shalt  }
0x4d: {  	_ =	shalt  }
0x4e: {  	_ =	shalt  }
0x4f: {  	_ =	shalt  }
0x50: {  	_ =	shalt  }
0x51: {  	_ =	shalt  }
0x52: {  	_ =	shalt  }
0x53: {  	_ =	shalt  }
0x54: {  	_ =	shalt  }
0x55: {  	_ =	shalt  }
0x56: {  	_ =	shalt  }
0x57: {  	_ =	shalt  }
0x58: {  	_ =	shalt  }
0x59: {  	_ =	shalt  }
0x5a: {  	_ =	shalt  }
0x5b: {  	_ =	shalt  }
0x5c: {  	_ =	shalt  }
0x5d: {  	_ =	shalt  }
0x5e: {  	_ =	shalt  }
0x5f: {  	_ =	shalt  }
0x60: {  	_ =	shalt  }
0x61: {  	_ =	shalt  }
0x62: {  	_ =	shalt  }
0x63: {  	_ =	shalt  }
0x64: {  	_ =	shalt  }
0x65: {  	_ =	shalt  }
0x66: {  	_ =	shalt  }
0x67: {  	_ =	shalt  }
0x68: {  	_ =	shalt  }
0x69: {  	_ =	shalt  }
0x6a: {  	_ =	shalt  }
0x6b: {  	_ =	shalt  }
0x6c: {  	_ =	shalt  }
0x6d: {  	_ =	shalt  }
0x6e: {  	_ =	shalt  }
0x6f: {  	_ =	shalt  }
0x70: {  	_ =	shalt  }
0x71: {  	_ =	shalt  }
0x72: {  	_ =	shalt  }
0x73: {  	_ =	shalt  }
0x74: {  	_ =	shalt  }
0x75: {  	_ =	shalt  }
0x76: {  	_ =	shalt  }
0x77: {  	_ =	shalt  }
0x78: {  	_ =	shalt  }
0x79: {  	_ =	shalt  }
0x7a: {  	_ =	shalt  }
0x7b: {  	_ =	shalt  }
0x7c: {  	_ =	shalt  }
0x7d: {  	_ =	shalt  }
0x7e: {  	_ =	shalt  }
0x7f: {  	_ =	shalt  }
0x80: {  	_ =	shalt  }
0x81: {  	_ =	shalt  }
0x82: {  	_ =	shalt  }
0x83: {  	_ =	shalt  }
0x84: {  	_ =	shalt  }
0x85: {  	_ =	shalt  }
0x86: {  	_ =	shalt  }
0x87: {  	_ =	shalt  }
.Lfunc_end0:
.L_simem_size_0:
called_computation_lowered:
.L_overlay_start_0:
0x88: {  	s2 =	sld [smem:$0x3FD9]  }
0x89: {  	s3 =	sld [smem:$0x3FFE];
	_ =	sdelay $0x1  }
0x8a: {  	s1 =	srdreg.scid  }
0x8b: {  	s0 =	sand.u32 $0x1, s1  }
0x8c: {  	s16 =	sshll.u32 s0, $0xA;
	s2 =	sadd.s32 s3, s2  }
0x8d: {  	s2 =	sadd.s32 s2, s16  }
0x8e: {  	[smem:$0x3FBC] =	sst s2  }
0x8f: {  	_ = 	snop  }
0x90: {  	(tm) =	ssettm $0x1  }
0x91: {  	s17 =	sld [smem:$0x3FFB];
	_ =	sdelay $0x3  }
0x92: {  	_ =	strace s17  }
0x93: {  	s2 =	sld [smem:$0x3FFC];
	_ =	sdelay $0x3  }
0x94: {  	_ =	strace s2  }
0x95: {  	s2 =	sld [smem:$0x3FFD];
	_ =	sdelay $0x3  }
0x96: {  	_ =	strace s2  }
0x97: {  	_ =	strace $0x8FFFFFFF  }
0x98: {  	s18 =	sld [smem:$0x3FDB];
	_ =	sdelay $0x1  }
0x99: {  	s19 =	simm.s32 $_scs_section_size  }
0x9a: {  	s4 =	simm.s32 $_size__tile_overlayer_lowered;
	s5 =	simm.s32 $_tile_overlayer_lowered  }
0x9b: {  	s22 =	simm.s32 $0x1BFF;
	s21 =	sshll.u32 s5, $0x1;
	s2 =	sadd.s32 s19, s18  }
0x9c: {  	s6 =	simm.s32 $0x0;
	s20 =	sshll.u32 s4, $0x1;
	s4 =	sadd.s32 s21, s2  }
0x9d: {  	[timem:s6], [sflag:s22] =	dma.local [hbm:s4], s20  }
0x9e: {  	_ =	swait.ge [sflag:s22], s20  }
0x9f: {  	s3 =	ssub.s32 $0x0, s20;
	[sflag:s22] =	ssyncset.done $0x0  }
0xa0: {  	[sflag:s22] =	ssyncadd.s32 s3;
	_ =	sdelay $0x1  }
0xa1: {  	s23 =	simm.s32 $0x1B8B  }
0xa2: {  	_ =	swait.ge [sflag:s23], $0x1  }
0xa3: {  	[sflag:s23] =	ssyncset.done $0x0  }
0xa4: {  	s25 =	simm.s32 $0x1B8E;
	s24 =	sld [smem:$0x3FFE];
	[sflag:s23] =	ssyncadd.s32 $0xFFFFFFFF  }
0xa5: {  	s26 =	simm.s32 $execute0_lowered;
	[smem:$0x3FD2] =	sst s25  }
0xa6: {  	s4 =	sshll.u32 s26, $0x1;
	_ =	strace $0x80000046;
	[dreg:$0x1] =	wrdreg $0xFFFFFFFF  }
0xa7: {  	s28 =	simm.s32 $_size_execute0_lowered;
	s2 =	sadd.s32 s2, s4;
	[dreg:$0x0] =	wrdreg $0x0  }
0xa8: {  	s4 =	sshll.u32 s28, $0x1;
	[dreg:$0x2] =	wrdreg s2  }
0xa9: {  	[dreg:$0x3] =	wrdreg s4  }
0xaa: {  	[dreg:$0x4] =	wrdreg $0xC0  }
0xab: {  	_ =	task [dreg:s6], $0x5FFFF  }
0xac: {  	[dreg:$0x1] =	wrdreg $0xFFFFFFFF  }
0xad: {  	[dreg:$0x0] =	wrdreg $0x60  }
0xae: {  	[dreg:$0x2] =	wrdreg s24  }
0xaf: {  	[dreg:$0x3] =	wrdreg $0x68000  }
0xb0: {  	[dreg:$0x4] =	wrdreg $0x9  }
0xb1: {  	_ =	task.clear_ibuf [dreg:s6], $0x5FFFF;
	_ =	strace $0x90000046  }
0xb2: {  	s29 =	simm.s32 $0x9;
	_ =	strace $0x80000048  }
0xb3: {  	_ =	swait.ge [sflag:s29], $0x1  }
0xb4: {  	[sflag:s29] =	ssyncadd.s32 $0xFFFFFFFF  }
0xb5: {  	_ =	strace $0x90000048  }
0xb6: {  	_ =	sfence  }
0xb7: {  	s30 =	sld [smem:$0x0];
	_ =	sdelay $0x2  }
0xb8: {  	s31 =	sshll.u32 s1, $0xD;
	s1 =	sshrl.u32 s1, $0x2  }
0xb9: {  	s3 =	sand.u32 $0x4000, s31;
	s1 =	sadd.s32 s1, s30  }
0xba: {  	s0 =	sor.u32 s3, s0;
	s1 =	sshll.u32 s1, $0x11  }
0xbb: {  	s0 =	sor.u32 s1, s0  }
0xbc: {  	s0 =	sadd.s32 $0x8F2B, s0  }
0xbd: {  	[sflag:s0] =	ssyncadd.remote.s32 $0x1  }
0xbe: {  	_ =	sfence.sel $0xFFFF  }
0xbf: {  	[dreg:$0x0] =	wrdreg $0xFFFFFFFF;
	(pc) =	sbr.abs _section_cstart, $3  }
0xc0: {  	[dreg:$0x1] =	wrdreg $0xFFFFFFFF  }
0xc1: {  	_ =	task.clear_ibuf [dreg:s6], $0x2FFFF;
	_ =	strace $0x9FFFFFFF  }
0xc2: {  	(tm) =	ssettm $0x7FFFFFFF  }
0xc3: {  	_ =	shalt  }
tec
execute0_lowered:
.L_overlay_start_1:
0x0: {  	(tag) =	ssettag $0x1  }
0x1: {  	s6 =	rddreg [dreg:$0x0]  }
0x2: {  	s2 =	rddreg [dreg:$0x1];
	s3 =	srdreg.scid  }
0x3: {  	s0 =	rddreg [dreg:$0x2];
	s1 =	stileid.u32;
	s13 =	simm.s32 $0x80  }
0x4: {  	s14 =	simm.s32 $0x0;
	s7 =	sand.u32 $0x1, s3;
	s9 =	smul.u32 $0x14000, s1  }
0x5: {  	s3 =	simm.s32 $0x0;
	s4 =	sshll.u32 s1, $0x1;
	s29 =	smul.u32 $0x50000, s1  }
0x6: {  	s31 =	sshll.u32 s1, $0x6;
	s8 =	smul.u32 $0x140000, s7;
	[smem:$0x7FF] =	sst s3  }
0x7: {  	s5 =	sor.u32 s7, s4;
	s4 =	sadd.s32 $0xE400, s6;
	s7 =	ssub.s32 $0x2, s7  }
0x8: {  	_ =	strace $0x80000047;
	s10 =	smul.u32 $0x500, s5;
	s5 =	sadd.s32 $0xDC00, s6  }
0x9: {  	s30 =	sshrl.u32 s7, $0x1;
	s8 =	sadd.s32 s9, s8;
	s9 =	sshrl.u32 s29, $0x2  }
0xa: {  	s11 =	ssub.s32 s7, s30;
	s10 =	sadd.s32 s10, s6;
	s8 =	sshrl.u32 s8, $0x3  }
0xb: {  	s12 =	sadd.s32 s9, s2;
	s9 =	simm.s32 $0x1;
	s8 =	sadd.s32 s8, s6  }
0xc: {  	s6 =	sadd.s32 $0x3C00, s10;
	s10 =	simm.s32 $0x2800;
	s12 =	sshrl.u32 s12, $0x3  }
0xd: {  	s7 =	sadd.s32 $0x10C00, s8;
	s8 =	smax.u32 s11, $0x1;
	s11 =	sor.u32 $0x1C01, s31  }
.LBB2_1:
0xe: {  	[tilespmem:s3], [sflag:$0x1] =	stream.linear.gather [hbm4b:s6+s3], $0x2800, $0x38;
	[tilespmem:$0x1A800] =	vst v63  }
0xf: {  	_ =	swait.ge [sflag:s9], $0x2800  }
0x10: {  	[sflag:s9] =	ssyncset.done $0x0  }
0x11: {  	[sflag:s9] =	ssyncadd.s32 $0xFFFFD800  }
0x12: {  	[tilespmem:s10], [sflag:$0x1] =	stream.linear.gather [hbm4b:s5+s3], $0x4000, $0x38;
	[tilespmem:$0x1A800] =	vst v63  }
0x13: {  	_ =	swait.ge [sflag:s9], $0x4000  }
0x14: {  	[sflag:s9] =	ssyncset.done $0x0  }
0x15: {  	[sflag:s9] =	ssyncadd.s32 $0xFFFFC000  }
0x16: {  	[spmem:s12], [sflag:s11] =	dma.local [hbm:s4], $0x2800  }
0x17: {  	_ =	swait.ge [sflag:s9], $0x2800  }
0x18: {  	[sflag:s9] =	ssyncset.done $0x0  }
0x19: {  	[sflag:s9] =	ssyncadd.s32 $0xFFFFD800  }
0x1a: {  	s15 =	simm.s32 $0x0;
	[bflag:$0x0] =	sbarrier.arrive $0xFFFF  }
0x1b: {  	[spmem:s2] =	stream.indirect.scatter.add.f32 [tilespmem:s10], [sflag:$0x1], $0x80, s15, s13, $0xb8;
	[tilespmem:$0x1A800] =	vst v63  }
0x1c: {  	_ =	swait.ge [sflag:s9], $0x4000  }
0x1d: {  	s15 =	simm.s32 $0x200;
	[sflag:s9] =	ssyncset.done $0x0  }
.LBB2_2:
0x1e: {  	s16 =	sshra.s32 s15, $0x2;
	[sflag:s9] =	ssyncadd.s32 $0xFFFFC000;
	p0 =	sne.s32 s15, $0x9E00  }
0x1f: {  	[spmem:s2] =	stream.indirect.scatter.add.f32 [tilespmem:s10], [sflag:$0x1], $0x80, s16, s13, $0xb8;
	[tilespmem:$0x1A800] =	vst v63  }
.Ltmp0:
0x20: {  	_ = 	snop;
	(pc) =	sbr.rel @p0 .LBB2_2-.Ltmp0, $4  }
0x21: {  	_ = 	snop  }
0x22: {  	s15 =	sadd.s32 $0x200, s15  }
0x23: {  	_ =	swait.ge [sflag:s9], $0x4000  }
0x24: {  	[sflag:s9] =	ssyncset.done $0x0  }
0x25: {  	s14 =	sadd.s32 $0x1, s14  }
0x26: {  	[sflag:s9] =	ssyncadd.s32 $0xFFFFC000;
	p0 =	sne.s32 s14, s8  }
.Ltmp1:
0x27: {  	[bflag:$0x0] =	sbarrier.arrive $0xFFFF;
	(pc) =	sbr.rel @p0 .LBB2_1-.Ltmp1, $4  }
0x28: {  	[hbm:s7], [sflag:s11] =	dma.local [spmem:s12], $0x2800  }
0x29: {  	_ =	swait.ge [sflag:s9], $0x2800  }
0x2a: {  	[sflag:s9] =	ssyncset.done $0x0  }
0x2b: {  	[sflag:s9] =	ssyncadd.s32 $0xFFFFD800  }
0x2c: {  	_ =	sfence.sel $0x180000  }
0x2d: {  	[bflag:$0x0] =	sbarrier.arrive $0xFFFF  }
0x2e: {  	p0 =	sne.s32 s1, $0x0;
	_ =	strace $0x90000047  }
0x2f: {  	s0 =	sadd.s32 @!p0 $0x100000, s0;
	[bflag:$0x2] =	sbarrier.arrive $0xFFFF  }
0x30: {  	[sflag:s0] =	ssyncadd.tile.s32 @!p0 $0x1;
	_ =	shalt  }
.Lfunc_end2:
_tile_overlayer_lowered:
.L_overlay_start_2:
0x31: {  	(tag) =	ssettag $0x2  }
0x32: {  	s0 =	rddreg [dreg:$0x0];
	s2 =	stileid.u32  }
0x33: {  	s1 =	rddreg [dreg:$0x1];
	p0 =	sne.s32 s2, $0x0  }
0x34: {  	s3 =	rddreg [dreg:$0x2];
	[bflag:$0x3] =	sbarrier.arrive $0xFFFF;
	s2 =	simm.s32 @!p0 $0x1C01  }
0x35: {  	[timem:s3], [sflag:s2] =	dma.local @!p0 [hbm:s0], s1  }
0x36: {  	s0 =	simm.s32 @!p0 $0x1  }
0x37: {  	_ =	swait.ge @!p0 [sflag:s0], s1  }
0x38: {  	s1 =	ssub.s32 @!p0 $0x0, s1;
	[sflag:s0] =	ssyncset.done @!p0 $0x0  }
0x39: {  	[sflag:s0] =	ssyncadd.s32 @!p0 s1  }
0x3a: {  	[bflag:$0x3] =	sbarrier.arrive $0xFFFF  }
0x3b: {  	_ =	shalt  }

// kernel: kernel.14.cloned.1.call-start
scs
__scs_entry_jumppad:
0x0: {  	(pc) =	sbr.rel $0x88, $3  }
0x1: {  	(tag) =	ssettag $0x0;
	lr =	simm.s32 $0x1  }
0x2: {  	[smem:$0x3F95] =	sst lr;
	_ =	strace $0xD0000000  }
0x3: {  	_ = 	snop  }
0x4: {  	_ = 	snop  }
0x5: {  	_ = 	snop  }
0x6: {  	_ = 	snop  }
0x7: {  	_ = 	snop  }
__scs_overlays_trampoline_lowered:
0x8: {  	[smem:$0x3FA4] =	sst s0  }
0x9: {  	[smem:$0x3FA5] =	sst s1  }
0xa: {  	[smem:$0x3FA6] =	sst s2  }
0xb: {  	[smem:$0x3FA7] =	sst s3  }
0xc: {  	[smem:$0x3FA8] =	sst s4  }
0xd: {  	[smem:$0x3FA9] =	sst s5  }
0xe: {  	[smem:$0x3FAA] =	sst s6  }
0xf: {  	[smem:$0x3FAB] =	sst s7  }
0x10: {  	[smem:$0x3FAC] =	sst s8  }
0x11: {  	[smem:$0x3FAD] =	sst s9;
	s0 =	simm.s32 @!p0 $0x0  }
0x12: {  	s1 =	sld [smem:$0x3F93];
	s0 =	simm.s32 @p0 $0x1  }
0x13: {  	[smem:$0x3FAE] =	sst s0;
	s0 =	simm.s32 @!p1 $0x0  }
0x14: {  	s2 =	sld [smem:$0x3F92];
	s0 =	simm.s32 @p1 $0x1  }
0x15: {  	[smem:$0x3FAF] =	sst s0;
	s0 =	simm.s32 @!p2 $0x0  }
0x16: {  	s3 =	sld [smem:$0x3FDB];
	s0 =	simm.s32 @p2 $0x1  }
0x17: {  	s4 =	simm.s32 $0x1BF5;
	[smem:$0x3FB1] =	sst s0  }
0x18: {  	s0 =	sld [smem:$0x3F94];
	_ =	swait.ge [sflag:s4], $0x0  }
0x19: {  	s7 =	sld [smem:$0x3F95]  }
0x1a: {  	s8 =	sadd.s32 $0xFFFFE003, lr  }
0x1b: {  	s9 =	sadd.s32 $0xFFFFFEF7, lr;
	s5 =	simm.s32 $0xFFFFFFFF;
	p2 =	slt.u32 s8, $0xFFFFF086  }
0x1c: {  	p1 =	slt.u32 s9, $0xF7A;
	s5 =	simm.s32 @!p2 $0x0  }
0x1d: {  	s5 =	simm.s32 @p1 $0x1;
	p0 =	seq.s32 s7, s2  }
0x1e: {  	s7 =	smul.u32 @!p0 $0xF7A, s2;
	p2 =	seq.s32 @!p0 s5, $0x0  }
0x1f: {  	s9 =	smul.u32 $0xF7A, s1;
	s8 =	simm.s32 @!p0 $0x1BF5;
	p2 =	por !p2, p0  }
0x20: {  	[sflag:s8] =	ssyncset.s32 @!p0 $0xFFFFF086;
	s6 =	sadd.s32 @!p0 s3, s7;
	s7 =	simm.s32 @!p0 $0x108  }
0x21: {  	s3 =	sadd.s32 s3, s9;
	s6 =	sadd.s32 @!p0 $0x88, s6;
	s7 =	simm.s32 @p2 $0x1082  }
0x22: {  	[simem:s7], [sflag:s8] =	dma.local @!p0 [hbm:s6], $0xF7A  }
0x23: {  	s9 =	sor.u32 $0xD0000000, s2;
	s6 =	simm.s32 $0x108;
	_ =	swait.ge @!p0 [sflag:s8], $0x0  }
0x24: {  	s3 =	sadd.s32 $0x88, s3;
	s6 =	simm.s32 @!p1 $0x1082;
	[sflag:s4] =	ssyncset.s32 $0xFFFFF086  }
0x25: {  	[simem:s6], [sflag:s4] =	dma.local [hbm:s3], $0xF7A  }
0x26: {  	[smem:$0x3F95] =	sst s1;
	(tag) =	ssettag s2;
	_ =	strace s9  }
0x27: {  	s1 =	sld [smem:$0x3FA5]  }
0x28: {  	s2 =	sld [smem:$0x3FA6]  }
0x29: {  	s4 =	sld [smem:$0x3FA8]  }
0x2a: {  	p0 =	seq.s32 s5, $0x0;
	s5 =	sld [smem:$0x3FA9]  }
0x2b: {  	s6 =	sld [smem:$0x3FAA]  }
0x2c: {  	s7 =	sld [smem:$0x3FAB]  }
0x2d: {  	s3 =	simm.s32 $0x108;
	s8 =	sld [smem:$0x3FAC]  }
0x2e: {  	s3 =	simm.s32 @!p0 $0x1082;
	s9 =	sld [smem:$0x3FAD]  }
0x2f: {  	lr =	sadd.s32 s0, s3;
	s0 =	sld [smem:$0x3FA4]  }
0x30: {  	s3 =	sld [smem:$0x3FA7]  }
0x31: {  	[smem:$0x3FB0] =	sst s10  }
0x32: {  	s10 =	sld [smem:$0x3FAE];
	_ =	sdelay $0x3  }
0x33: {  	p0 =	seq.s32 s10, $0x1;
	s10 =	sld [smem:$0x3FB0];
	_ =	sdelay $0x3  }
0x34: {  	[smem:$0x3FB0] =	sst s10  }
0x35: {  	s10 =	sld [smem:$0x3FAF];
	_ =	sdelay $0x3  }
0x36: {  	p1 =	seq.s32 s10, $0x1;
	s10 =	sld [smem:$0x3FB0];
	_ =	sdelay $0x3  }
0x37: {  	[smem:$0x3FB0] =	sst s10  }
0x38: {  	s10 =	sld [smem:$0x3FB1]  }
0x39: {  	_ = 	snop;
	(pc) =	sbr.ind lr, $3  }
0x3a: {  	_ = 	snop  }
0x3b: {  	_ = 	snop  }
0x3c: {  	p2 =	seq.s32 s10, $0x1;
	s10 =	sld [smem:$0x3FB0]  }
0x3d: {  	_ =	shalt  }
0x3e: {  	_ =	shalt  }
0x3f: {  	_ =	shalt  }
0x40: {  	_ =	shalt  }
0x41: {  	_ =	shalt  }
0x42: {  	_ =	shalt  }
0x43: {  	_ =	shalt  }
0x44: {  	_ =	shalt  }
0x45: {  	_ =	shalt  }
0x46: {  	_ =	shalt  }
0x47: {  	_ =	shalt  }
0x48: {  	_ =	shalt  }
0x49: {  	_ =	shalt  }
0x4a: {  	_ =	shalt  }
0x4b: {  	_ =	shalt  }
0x4c: {  	_ =	shalt  }
0x4d: {  	_ =	shalt  }
0x4e: {  	_ =	shalt  }
0x4f: {  	_ =	shalt  }
0x50: {  	_ =	shalt  }
0x51: {  	_ =	shalt  }
0x52: {  	_ =	shalt  }
0x53: {  	_ =	shalt  }
0x54: {  	_ =	shalt  }
0x55: {  	_ =	shalt  }
0x56: {  	_ =	shalt  }
0x57: {  	_ =	shalt  }
0x58: {  	_ =	shalt  }
0x59: {  	_ =	shalt  }
0x5a: {  	_ =	shalt  }
0x5b: {  	_ =	shalt  }
0x5c: {  	_ =	shalt  }
0x5d: {  	_ =	shalt  }
0x5e: {  	_ =	shalt  }
0x5f: {  	_ =	shalt  }
0x60: {  	_ =	shalt  }
0x61: {  	_ =	shalt  }
0x62: {  	_ =	shalt  }
0x63: {  	_ =	shalt  }
0x64: {  	_ =	shalt  }
0x65: {  	_ =	shalt  }
0x66: {  	_ =	shalt  }
0x67: {  	_ =	shalt  }
0x68: {  	_ =	shalt  }
0x69: {  	_ =	shalt  }
0x6a: {  	_ =	shalt  }
0x6b: {  	_ =	shalt  }
0x6c: {  	_ =	shalt  }
0x6d: {  	_ =	shalt  }
0x6e: {  	_ =	shalt  }
0x6f: {  	_ =	shalt  }
0x70: {  	_ =	shalt  }
0x71: {  	_ =	shalt  }
0x72: {  	_ =	shalt  }
0x73: {  	_ =	shalt  }
0x74: {  	_ =	shalt  }
0x75: {  	_ =	shalt  }
0x76: {  	_ =	shalt  }
0x77: {  	_ =	shalt  }
0x78: {  	_ =	shalt  }
0x79: {  	_ =	shalt  }
0x7a: {  	_ =	shalt  }
0x7b: {  	_ =	shalt  }
0x7c: {  	_ =	shalt  }
0x7d: {  	_ =	shalt  }
0x7e: {  	_ =	shalt  }
0x7f: {  	_ =	shalt  }
0x80: {  	_ =	shalt  }
0x81: {  	_ =	shalt  }
0x82: {  	_ =	shalt  }
0x83: {  	_ =	shalt  }
0x84: {  	_ =	shalt  }
0x85: {  	_ =	shalt  }
0x86: {  	_ =	shalt  }
0x87: {  	_ =	shalt  }
.Lfunc_end0:
.L_simem_size_0:
called_computation.1_lowered:
.L_overlay_start_0:
0x88: {  	s2 =	sld [smem:$0x3FD9]  }
0x89: {  	s3 =	sld [smem:$0x3FFE];
	_ =	sdelay $0x1  }
0x8a: {  	s1 =	srdreg.scid  }
0x8b: {  	s0 =	sand.u32 $0x1, s1  }
0x8c: {  	s17 =	sshll.u32 s0, $0xA;
	s2 =	sadd.s32 s3, s2  }
0x8d: {  	s2 =	sadd.s32 s2, s17  }
0x8e: {  	[smem:$0x3FBC] =	sst s2  }
0x8f: {  	_ = 	snop  }
0x90: {  	s2 =	sld [smem:$0x3FD0];
	(tm) =	ssettm $0x1  }
0x91: {  	s18 =	sld [smem:$0x3FFB];
	_ =	sdelay $0x3  }
0x92: {  	_ =	strace s18  }
0x93: {  	s3 =	sld [smem:$0x3FFC];
	_ =	sdelay $0x3  }
0x94: {  	_ =	strace s3  }
0x95: {  	s3 =	sld [smem:$0x3FFD];
	_ =	sdelay $0x3  }
0x96: {  	_ =	strace s3  }
0x97: {  	_ =	strace $0x8FFFFFFF  }
0x98: {  	s19 =	sld [smem:$0x3FDB];
	_ =	sdelay $0x1  }
0x99: {  	s4 =	simm.s32 $_scs_section_size  }
0x9a: {  	s5 =	simm.s32 $_size__tile_overlayer_lowered;
	s6 =	simm.s32 $_tile_overlayer_lowered  }
0x9b: {  	s22 =	simm.s32 $0x1BFF;
	s21 =	sshll.u32 s6, $0x1;
	s3 =	sadd.s32 s4, s19  }
0x9c: {  	s7 =	simm.s32 $0x0;
	s20 =	sshll.u32 s5, $0x1;
	s5 =	sadd.s32 s21, s3  }
0x9d: {  	[timem:s7], [sflag:s22] =	dma.local [hbm:s5], s20  }
0x9e: {  	_ =	swait.ge [sflag:s22], s20  }
0x9f: {  	s4 =	ssub.s32 $0x0, s20;
	[sflag:s22] =	ssyncset.done $0x0  }
0xa0: {  	[sflag:s22] =	ssyncadd.s32 s4;
	_ =	sdelay $0x1  }
0xa1: {  	s23 =	simm.s32 $0x1B8B  }
0xa2: {  	_ =	swait.ge [sflag:s23], $0x1  }
0xa3: {  	[sflag:s23] =	ssyncset.done $0x0  }
0xa4: {  	s25 =	simm.s32 $0x1B8E;
	s24 =	sld [smem:$0x3FFE];
	[sflag:s23] =	ssyncadd.s32 $0xFFFFFFFF  }
0xa5: {  	s26 =	simm.s32 $execute0_lowered;
	[smem:$0x3FD2] =	sst s25  }
0xa6: {  	s5 =	sshll.u32 s26, $0x1;
	_ =	strace $0x80000049;
	[dreg:$0x1] =	wrdreg $0xFFFFFFFF  }
0xa7: {  	s28 =	simm.s32 $_size_execute0_lowered;
	s3 =	sadd.s32 s3, s5;
	[dreg:$0x0] =	wrdreg $0x0  }
0xa8: {  	s5 =	sshll.u32 s28, $0x1;
	[dreg:$0x2] =	wrdreg s3  }
0xa9: {  	[dreg:$0x3] =	wrdreg s5  }
0xaa: {  	[dreg:$0x4] =	wrdreg $0xC0  }
0xab: {  	_ =	task [dreg:s7], $0x5FFFF  }
0xac: {  	[dreg:$0x1] =	wrdreg $0xFFFFFFFF  }
0xad: {  	[dreg:$0x0] =	wrdreg $0x60  }
0xae: {  	[dreg:$0x2] =	wrdreg s24  }
0xaf: {  	[dreg:$0x3] =	wrdreg s2  }
0xb0: {  	[dreg:$0x4] =	wrdreg $0x90000  }
0xb1: {  	[dreg:$0x5] =	wrdreg $0x9  }
0xb2: {  	_ =	task.clear_ibuf [dreg:s7], $0x6FFFF;
	_ =	strace $0x90000049  }
0xb3: {  	s29 =	simm.s32 $0x9;
	_ =	strace $0x8000004B  }
0xb4: {  	_ =	swait.ge [sflag:s29], $0x1  }
0xb5: {  	[sflag:s29] =	ssyncadd.s32 $0xFFFFFFFF  }
0xb6: {  	_ =	strace $0x9000004B  }
0xb7: {  	_ =	sfence  }
0xb8: {  	s30 =	sld [smem:$0x0];
	_ =	sdelay $0x2  }
0xb9: {  	s31 =	sshll.u32 s1, $0xD;
	s1 =	sshrl.u32 s1, $0x2  }
0xba: {  	s3 =	sand.u32 $0x4000, s31;
	s1 =	sadd.s32 s1, s30  }
0xbb: {  	s0 =	sor.u32 s3, s0;
	s1 =	sshll.u32 s1, $0x11  }
0xbc: {  	s0 =	sor.u32 s1, s0  }
0xbd: {  	s0 =	sadd.s32 $0x8F2B, s0  }
0xbe: {  	[sflag:s0] =	ssyncadd.remote.s32 $0x1  }
0xbf: {  	_ =	sfence.sel $0xFFFF  }
0xc0: {  	[dreg:$0x0] =	wrdreg $0xFFFFFFFF;
	(pc) =	sbr.abs _section_cstart, $3  }
0xc1: {  	[dreg:$0x1] =	wrdreg $0xFFFFFFFF  }
0xc2: {  	_ =	task.clear_ibuf [dreg:s7], $0x2FFFF;
	_ =	strace $0x9FFFFFFF  }
0xc3: {  	(tm) =	ssettm $0x7FFFFFFF  }
tec
execute0_lowered:
.L_overlay_start_1:
0x0: {  	(tag) =	ssettag $0x1  }
0x1: {  	s6 =	rddreg [dreg:$0x0]  }
0x2: {  	s7 =	rddreg [dreg:$0x1]  }
0x3: {  	s1 =	rddreg [dreg:$0x2];
	s2 =	srdreg.scid  }
0x4: {  	s0 =	rddreg [dreg:$0x3];
	s3 =	simm.s32 $0x0;
	s13 =	simm.s32 $0x5000  }
0x5: {  	s14 =	simm.s32 $0x1;
	s8 =	sand.u32 $0x1, s2;
	s2 =	stileid.u32  }
0x6: {  	s15 =	simm.s32 $0x0;
	[smem:$0x7FF] =	sst s3;
	s9 =	smul.u32 $0x140000, s8  }
0x7: {  	s4 =	sadd.s32 $0xE400, s6;
	s5 =	sadd.s32 $0x10C00, s6;
	s10 =	smul.u32 $0x14000, s2  }
0x8: {  	_ =	strace $0x8000004A;
	s28 =	sshll.u32 s2, $0x1;
	s11 =	ssub.s32 $0x2, s8  }
0x9: {  	s29 =	smul.u32 $0x50000, s2;
	s31 =	sshll.u32 s2, $0x6;
	s8 =	sor.u32 s8, s28  }
0xa: {  	s12 =	sshrl.u32 s11, $0x1;
	s9 =	sadd.s32 s10, s9;
	s8 =	smul.u32 $0xA00, s8  }
0xb: {  	s11 =	ssub.s32 s11, s12;
	s10 =	sshrl.u32 s29, $0x2;
	s12 =	simm.s32 $0x80  }
0xc: {  	s9 =	sshrl.u32 s9, $0x3;
	s30 =	sadd.s32 s10, s1;
	s10 =	sor.u32 $0x1C02, s31  }
0xd: {  	s9 =	sadd.s32 s9, s6;
	s6 =	sadd.s32 s7, s8;
	s8 =	smax.u32 s11, $0x1  }
0xe: {  	s11 =	sshrl.u32 s30, $0x3;
	s7 =	sadd.s32 $0x38C00, s9;
	s9 =	simm.s32 $0x2  }
.LBB2_1:
0xf: {  	[tilespmem:s3], [sflag:$0x2] =	stream.linear.gather [hbm4b:s6+s3], $0x5000, $0x38;
	[tilespmem:$0x1D000] =	vst v63  }
0x10: {  	_ =	swait.ge [sflag:s9], $0x5000  }
0x11: {  	[sflag:s9] =	ssyncset.done $0x0  }
0x12: {  	[sflag:s9] =	ssyncadd.s32 $0xFFFFB000  }
0x13: {  	[spmem:s11], [sflag:s10] =	dma.local [hbm:s4], $0x2800  }
0x14: {  	_ =	swait.ge [sflag:s9], $0x2800  }
0x15: {  	[sflag:s9] =	ssyncset.done $0x0  }
0x16: {  	[sflag:s9] =	ssyncadd.s32 $0xFFFFD800  }
0x17: {  	s16 =	simm.s32 $0x0;
	[bflag:$0x0] =	sbarrier.arrive $0xFFFF  }
0x18: {  	[tilespmem:s13], [sflag:$0x1] =	stream.indirect.gather [hbm4b:s5+s12], $0x80, s16, s12, $0xb8;
	[tilespmem:$0x1D000] =	vst v63  }
0x19: {  	_ =	swait.ge [sflag:s14], $0x4000  }
0x1a: {  	[sflag:s14] =	ssyncset.done $0x0  }
0x1b: {  	s31 =	simm.s32 $0x2800;
	[sflag:s14] =	ssyncadd.s32 $0xFFFFC000  }
0x1c: {  	[spmem:s1] =	stream.indirect.scatter.add.f32 [tilespmem:s13], [sflag:$0x2], $0x80, s31, s12, $0xb8;
	[tilespmem:$0x1D000] =	vst v63  }
0x1d: {  	_ =	swait.ge [sflag:s9], $0x4000  }
0x1e: {  	s17 =	simm.s32 $0x400;
	s16 =	simm.s32 $0x200;
	[sflag:s9] =	ssyncset.done $0x0  }
.LBB2_2:
0x1f: {  	s18 =	sshra.s32 s16, $0x2  }
0x20: {  	[sflag:s9] =	ssyncadd.s32 $0xFFFFC000;
	s16 =	smov.u32 s17;
	s19 =	sadd.s32 $0x200, s17  }
0x21: {  	[tilespmem:s13], [sflag:$0x1] =	stream.indirect.gather [hbm4b:s5+s12], $0x80, s18, s12, $0xb8;
	[tilespmem:$0x1D000] =	vst v63  }
0x22: {  	p0 =	sne.s32 s17, $0x9E00;
	_ =	swait.ge [sflag:s14], $0x4000  }
.Ltmp0:
0x23: {  	[sflag:s14] =	ssyncset.done $0x0;
	(pc) =	sbr.rel @p0 .LBB2_2-.Ltmp0, $4  }
0x24: {  	s17 =	sadd.s32 $0x2800, s18;
	[sflag:s14] =	ssyncadd.s32 $0xFFFFC000  }
0x25: {  	[spmem:s1] =	stream.indirect.scatter.add.f32 [tilespmem:s13], [sflag:$0x2], $0x80, s17, s12, $0xb8;
	[tilespmem:$0x1D000] =	vst v63  }
0x26: {  	_ =	swait.ge [sflag:s9], $0x4000  }
0x27: {  	s17 =	smov.u32 s19;
	[sflag:s9] =	ssyncset.done $0x0  }
0x28: {  	s16 =	sshra.s32 s16, $0x2;
	[sflag:s9] =	ssyncadd.s32 $0xFFFFC000  }
0x29: {  	[tilespmem:s13], [sflag:$0x1] =	stream.indirect.gather [hbm4b:s5+s12], $0x80, s16, s12, $0xb8;
	[tilespmem:$0x1D000] =	vst v63  }
0x2a: {  	_ =	swait.ge [sflag:s14], $0x4000  }
0x2b: {  	[sflag:s14] =	ssyncset.done $0x0  }
0x2c: {  	s16 =	sadd.s32 $0x2800, s16;
	[sflag:s14] =	ssyncadd.s32 $0xFFFFC000  }
0x2d: {  	[spmem:s1] =	stream.indirect.scatter.add.f32 [tilespmem:s13], [sflag:$0x2], $0x80, s16, s12, $0xb8;
	[tilespmem:$0x1D000] =	vst v63  }
0x2e: {  	_ =	swait.ge [sflag:s9], $0x4000  }
0x2f: {  	s15 =	sadd.s32 $0x1, s15;
	[sflag:s9] =	ssyncset.done $0x0  }
0x30: {  	p0 =	sne.s32 s15, s8;
	[sflag:s9] =	ssyncadd.s32 $0xFFFFC000  }
.Ltmp1:
0x31: {  	[bflag:$0x0] =	sbarrier.arrive $0xFFFF;
	(pc) =	sbr.rel @p0 .LBB2_1-.Ltmp1, $4  }
0x32: {  	[hbm:s7], [sflag:s10] =	dma.local [spmem:s11], $0x2800  }
0x33: {  	_ =	swait.ge [sflag:s9], $0x2800  }
0x34: {  	[sflag:s9] =	ssyncset.done $0x0  }
0x35: {  	[sflag:s9] =	ssyncadd.s32 $0xFFFFD800  }
0x36: {  	_ =	sfence.sel $0x180000  }
0x37: {  	[bflag:$0x0] =	sbarrier.arrive $0xFFFF  }
0x38: {  	p0 =	sne.s32 s2, $0x0;
	_ =	strace $0x9000004A  }
0x39: {  	s0 =	sadd.s32 @!p0 $0x100000, s0;
	[bflag:$0x2] =	sbarrier.arrive $0xFFFF  }
0x3a: {  	[sflag:s0] =	ssyncadd.tile.s32 @!p0 $0x1;
	_ =	shalt  }
.Lfunc_end2:
_tile_overlayer_lowered:
.L_overlay_start_2:
0x3b: {  	(tag) =	ssettag $0x2  }
0x3c: {  	s0 =	rddreg [dreg:$0x0];
	s2 =	stileid.u32  }
0x3d: {  	s1 =	rddreg [dreg:$0x1];
	p0 =	sne.s32 s2, $0x0  }
0x3e: {  	s3 =	rddreg [dreg:$0x2];
	[bflag:$0x3] =	sbarrier.arrive $0xFFFF;
	s2 =	simm.s32 @!p0 $0x1C02  }
0x3f: {  	[timem:s3], [sflag:s2] =	dma.local @!p0 [hbm:s0], s1  }
0x40: {  	s0 =	simm.s32 @!p0 $0x2  }
0x41: {  	_ =	swait.ge @!p0 [sflag:s0], s1  }
0x42: {  	s1 =	ssub.s32 @!p0 $0x0, s1;
	[sflag:s0] =	ssyncset.done @!p0 $0x0  }
0x43: {  	[sflag:s0] =	ssyncadd.s32 @!p0 s1  }
0x44: {  	[bflag:$0x3] =	sbarrier.arrive $0xFFFF  }
0x45: {  	_ =	shalt  }

// kernel: kernel.17.cloned.1.call-start
scs
__scs_entry_jumppad:
0x0: {  	(pc) =	sbr.rel $0x88, $3  }
0x1: {  	(tag) =	ssettag $0x0;
	lr =	simm.s32 $0x1  }
0x2: {  	[smem:$0x3F95] =	sst lr;
	_ =	strace $0xD0000000  }
0x3: {  	_ = 	snop  }
0x4: {  	_ = 	snop  }
0x5: {  	_ = 	snop  }
0x6: {  	_ = 	snop  }
0x7: {  	_ = 	snop  }
__scs_overlays_trampoline_lowered:
0x8: {  	[smem:$0x3FA4] =	sst s0  }
0x9: {  	[smem:$0x3FA5] =	sst s1  }
0xa: {  	[smem:$0x3FA6] =	sst s2  }
0xb: {  	[smem:$0x3FA7] =	sst s3  }
0xc: {  	[smem:$0x3FA8] =	sst s4  }
0xd: {  	[smem:$0x3FA9] =	sst s5  }
0xe: {  	[smem:$0x3FAA] =	sst s6  }
0xf: {  	[smem:$0x3FAB] =	sst s7  }
0x10: {  	[smem:$0x3FAC] =	sst s8  }
0x11: {  	[smem:$0x3FAD] =	sst s9;
	s0 =	simm.s32 @!p0 $0x0  }
0x12: {  	s1 =	sld [smem:$0x3F93];
	s0 =	simm.s32 @p0 $0x1  }
0x13: {  	[smem:$0x3FAE] =	sst s0;
	s0 =	simm.s32 @!p1 $0x0  }
0x14: {  	s2 =	sld [smem:$0x3F92];
	s0 =	simm.s32 @p1 $0x1  }
0x15: {  	[smem:$0x3FAF] =	sst s0;
	s0 =	simm.s32 @!p2 $0x0  }
0x16: {  	s3 =	sld [smem:$0x3FDB];
	s0 =	simm.s32 @p2 $0x1  }
0x17: {  	s4 =	simm.s32 $0x1BF5;
	[smem:$0x3FB1] =	sst s0  }
0x18: {  	s0 =	sld [smem:$0x3F94];
	_ =	swait.ge [sflag:s4], $0x0  }
0x19: {  	s7 =	sld [smem:$0x3F95]  }
0x1a: {  	s8 =	sadd.s32 $0xFFFFE003, lr  }
0x1b: {  	s9 =	sadd.s32 $0xFFFFFEF7, lr;
	s5 =	simm.s32 $0xFFFFFFFF;
	p2 =	slt.u32 s8, $0xFFFFF086  }
0x1c: {  	p1 =	slt.u32 s9, $0xF7A;
	s5 =	simm.s32 @!p2 $0x0  }
0x1d: {  	s5 =	simm.s32 @p1 $0x1;
	p0 =	seq.s32 s7, s2  }
0x1e: {  	s7 =	smul.u32 @!p0 $0xF7A, s2;
	p2 =	seq.s32 @!p0 s5, $0x0  }
0x1f: {  	s9 =	smul.u32 $0xF7A, s1;
	s8 =	simm.s32 @!p0 $0x1BF5;
	p2 =	por !p2, p0  }
0x20: {  	[sflag:s8] =	ssyncset.s32 @!p0 $0xFFFFF086;
	s6 =	sadd.s32 @!p0 s3, s7;
	s7 =	simm.s32 @!p0 $0x108  }
0x21: {  	s3 =	sadd.s32 s3, s9;
	s6 =	sadd.s32 @!p0 $0x88, s6;
	s7 =	simm.s32 @p2 $0x1082  }
0x22: {  	[simem:s7], [sflag:s8] =	dma.local @!p0 [hbm:s6], $0xF7A  }
0x23: {  	s9 =	sor.u32 $0xD0000000, s2;
	s6 =	simm.s32 $0x108;
	_ =	swait.ge @!p0 [sflag:s8], $0x0  }
0x24: {  	s3 =	sadd.s32 $0x88, s3;
	s6 =	simm.s32 @!p1 $0x1082;
	[sflag:s4] =	ssyncset.s32 $0xFFFFF086  }
0x25: {  	[simem:s6], [sflag:s4] =	dma.local [hbm:s3], $0xF7A  }
0x26: {  	[smem:$0x3F95] =	sst s1;
	(tag) =	ssettag s2;
	_ =	strace s9  }
0x27: {  	s1 =	sld [smem:$0x3FA5]  }
0x28: {  	s2 =	sld [smem:$0x3FA6]  }
0x29: {  	s4 =	sld [smem:$0x3FA8]  }
0x2a: {  	p0 =	seq.s32 s5, $0x0;
	s5 =	sld [smem:$0x3FA9]  }
0x2b: {  	s6 =	sld [smem:$0x3FAA]  }
0x2c: {  	s7 =	sld [smem:$0x3FAB]  }
0x2d: {  	s3 =	simm.s32 $0x108;
	s8 =	sld [smem:$0x3FAC]  }
0x2e: {  	s3 =	simm.s32 @!p0 $0x1082;
	s9 =	sld [smem:$0x3FAD]  }
0x2f: {  	lr =	sadd.s32 s0, s3;
	s0 =	sld [smem:$0x3FA4]  }
0x30: {  	s3 =	sld [smem:$0x3FA7]  }
0x31: {  	[smem:$0x3FB0] =	sst s10  }
0x32: {  	s10 =	sld [smem:$0x3FAE];
	_ =	sdelay $0x3  }
0x33: {  	p0 =	seq.s32 s10, $0x1;
	s10 =	sld [smem:$0x3FB0];
	_ =	sdelay $0x3  }
0x34: {  	[smem:$0x3FB0] =	sst s10  }
0x35: {  	s10 =	sld [smem:$0x3FAF];
	_ =	sdelay $0x3  }
0x36: {  	p1 =	seq.s32 s10, $0x1;
	s10 =	sld [smem:$0x3FB0];
	_ =	sdelay $0x3  }
0x37: {  	[smem:$0x3FB0] =	sst s10  }
0x38: {  	s10 =	sld [smem:$0x3FB1]  }
0x39: {  	_ = 	snop;
	(pc) =	sbr.ind lr, $3  }
0x3a: {  	_ = 	snop  }
0x3b: {  	_ = 	snop  }
0x3c: {  	p2 =	seq.s32 s10, $0x1;
	s10 =	sld [smem:$0x3FB0]  }
0x3d: {  	_ =	shalt  }
0x3e: {  	_ =	shalt  }
0x3f: {  	_ =	shalt  }
0x40: {  	_ =	shalt  }
0x41: {  	_ =	shalt  }
0x42: {  	_ =	shalt  }
0x43: {  	_ =	shalt  }
0x44: {  	_ =	shalt  }
0x45: {  	_ =	shalt  }
0x46: {  	_ =	shalt  }
0x47: {  	_ =	shalt  }
0x48: {  	_ =	shalt  }
0x49: {  	_ =	shalt  }
0x4a: {  	_ =	shalt  }
0x4b: {  	_ =	shalt  }
0x4c: {  	_ =	shalt  }
0x4d: {  	_ =	shalt  }
0x4e: {  	_ =	shalt  }
0x4f: {  	_ =	shalt  }
0x50: {  	_ =	shalt  }
0x51: {  	_ =	shalt  }
0x52: {  	_ =	shalt  }
0x53: {  	_ =	shalt  }
0x54: {  	_ =	shalt  }
0x55: {  	_ =	shalt  }
0x56: {  	_ =	shalt  }
0x57: {  	_ =	shalt  }
0x58: {  	_ =	shalt  }
0x59: {  	_ =	shalt  }
0x5a: {  	_ =	shalt  }
0x5b: {  	_ =	shalt  }
0x5c: {  	_ =	shalt  }
0x5d: {  	_ =	shalt  }
0x5e: {  	_ =	shalt  }
0x5f: {  	_ =	shalt  }
0x60: {  	_ =	shalt  }
0x61: {  	_ =	shalt  }
0x62: {  	_ =	shalt  }
0x63: {  	_ =	shalt  }
0x64: {  	_ =	shalt  }
0x65: {  	_ =	shalt  }
0x66: {  	_ =	shalt  }
0x67: {  	_ =	shalt  }
0x68: {  	_ =	shalt  }
0x69: {  	_ =	shalt  }
0x6a: {  	_ =	shalt  }
0x6b: {  	_ =	shalt  }
0x6c: {  	_ =	shalt  }
0x6d: {  	_ =	shalt  }
0x6e: {  	_ =	shalt  }
0x6f: {  	_ =	shalt  }
0x70: {  	_ =	shalt  }
0x71: {  	_ =	shalt  }
0x72: {  	_ =	shalt  }
0x73: {  	_ =	shalt  }
0x74: {  	_ =	shalt  }
0x75: {  	_ =	shalt  }
0x76: {  	_ =	shalt  }
0x77: {  	_ =	shalt  }
0x78: {  	_ =	shalt  }
0x79: {  	_ =	shalt  }
0x7a: {  	_ =	shalt  }
0x7b: {  	_ =	shalt  }
0x7c: {  	_ =	shalt  }
0x7d: {  	_ =	shalt  }
0x7e: {  	_ =	shalt  }
0x7f: {  	_ =	shalt  }
0x80: {  	_ =	shalt  }
0x81: {  	_ =	shalt  }
0x82: {  	_ =	shalt  }
0x83: {  	_ =	shalt  }
0x84: {  	_ =	shalt  }
0x85: {  	_ =	shalt  }
0x86: {  	_ =	shalt  }
0x87: {  	_ =	shalt  }
.Lfunc_end0:
.L_simem_size_0:
called_computation.2_lowered:
.L_overlay_start_0:
0x88: {  	s2 =	sld [smem:$0x3FD9]  }
0x89: {  	s3 =	sld [smem:$0x3FFE];
	_ =	sdelay $0x1  }
0x8a: {  	s1 =	srdreg.scid  }
0x8b: {  	s0 =	sand.u32 $0x1, s1  }
0x8c: {  	s17 =	sshll.u32 s0, $0xA;
	s2 =	sadd.s32 s3, s2  }
0x8d: {  	s2 =	sadd.s32 s2, s17  }
0x8e: {  	[smem:$0x3FBC] =	sst s2  }
0x8f: {  	_ = 	snop  }
0x90: {  	s2 =	sld [smem:$0x3FD0];
	(tm) =	ssettm $0x1  }
0x91: {  	s18 =	sld [smem:$0x3FFB];
	_ =	sdelay $0x3  }
0x92: {  	_ =	strace s18  }
0x93: {  	s3 =	sld [smem:$0x3FFC];
	_ =	sdelay $0x3  }
0x94: {  	_ =	strace s3  }
0x95: {  	s3 =	sld [smem:$0x3FFD];
	_ =	sdelay $0x3  }
0x96: {  	_ =	strace s3  }
0x97: {  	_ =	strace $0x8FFFFFFF  }
0x98: {  	s19 =	sld [smem:$0x3FDB];
	_ =	sdelay $0x1  }
0x99: {  	s4 =	simm.s32 $_scs_section_size  }
0x9a: {  	s5 =	simm.s32 $_size__tile_overlayer_lowered;
	s6 =	simm.s32 $_tile_overlayer_lowered  }
0x9b: {  	s22 =	simm.s32 $0x1BFF;
	s21 =	sshll.u32 s6, $0x1;
	s3 =	sadd.s32 s4, s19  }
0x9c: {  	s7 =	simm.s32 $0x0;
	s20 =	sshll.u32 s5, $0x1;
	s5 =	sadd.s32 s21, s3  }
0x9d: {  	[timem:s7], [sflag:s22] =	dma.local [hbm:s5], s20  }
0x9e: {  	_ =	swait.ge [sflag:s22], s20  }
0x9f: {  	s4 =	ssub.s32 $0x0, s20;
	[sflag:s22] =	ssyncset.done $0x0  }
0xa0: {  	[sflag:s22] =	ssyncadd.s32 s4;
	_ =	sdelay $0x1  }
0xa1: {  	s23 =	simm.s32 $0x1B8B  }
0xa2: {  	_ =	swait.ge [sflag:s23], $0x1  }
0xa3: {  	[sflag:s23] =	ssyncset.done $0x0  }
0xa4: {  	s25 =	simm.s32 $0x1B8E;
	s24 =	sld [smem:$0x3FFE];
	[sflag:s23] =	ssyncadd.s32 $0xFFFFFFFF  }
0xa5: {  	s26 =	simm.s32 $execute0_lowered;
	[smem:$0x3FD2] =	sst s25  }
0xa6: {  	s5 =	sshll.u32 s26, $0x1;
	_ =	strace $0x8000004C;
	[dreg:$0x1] =	wrdreg $0xFFFFFFFF  }
0xa7: {  	s28 =	simm.s32 $_size_execute0_lowered;
	s3 =	sadd.s32 s3, s5;
	[dreg:$0x0] =	wrdreg $0x0  }
0xa8: {  	s5 =	sshll.u32 s28, $0x1;
	[dreg:$0x2] =	wrdreg s3  }
0xa9: {  	[dreg:$0x3] =	wrdreg s5  }
0xaa: {  	[dreg:$0x4] =	wrdreg $0xC0  }
0xab: {  	_ =	task [dreg:s7], $0x5FFFF  }
0xac: {  	[dreg:$0x1] =	wrdreg $0xFFFFFFFF  }
0xad: {  	[dreg:$0x0] =	wrdreg $0x60  }
0xae: {  	[dreg:$0x2] =	wrdreg s24  }
0xaf: {  	[dreg:$0x3] =	wrdreg s2  }
0xb0: {  	[dreg:$0x4] =	wrdreg $0x90000  }
0xb1: {  	[dreg:$0x5] =	wrdreg $0x9  }
0xb2: {  	_ =	task.clear_ibuf [dreg:s7], $0x6FFFF;
	_ =	strace $0x9000004C  }
0xb3: {  	s29 =	simm.s32 $0x9;
	_ =	strace $0x8000004E  }
0xb4: {  	_ =	swait.ge [sflag:s29], $0x1  }
0xb5: {  	[sflag:s29] =	ssyncadd.s32 $0xFFFFFFFF  }
0xb6: {  	_ =	strace $0x9000004E  }
0xb7: {  	_ =	sfence  }
0xb8: {  	s30 =	sld [smem:$0x0];
	_ =	sdelay $0x2  }
0xb9: {  	s31 =	sshll.u32 s1, $0xD;
	s1 =	sshrl.u32 s1, $0x2  }
0xba: {  	s3 =	sand.u32 $0x4000, s31;
	s1 =	sadd.s32 s1, s30  }
0xbb: {  	s0 =	sor.u32 s3, s0;
	s1 =	sshll.u32 s1, $0x11  }
0xbc: {  	s0 =	sor.u32 s1, s0  }
0xbd: {  	s0 =	sadd.s32 $0x8F2B, s0  }
0xbe: {  	[sflag:s0] =	ssyncadd.remote.s32 $0x1  }
0xbf: {  	_ =	sfence.sel $0xFFFF  }
0xc0: {  	[dreg:$0x0] =	wrdreg $0xFFFFFFFF;
	(pc) =	sbr.abs _section_cstart, $3  }
0xc1: {  	[dreg:$0x1] =	wrdreg $0xFFFFFFFF  }
0xc2: {  	_ =	task.clear_ibuf [dreg:s7], $0x2FFFF;
	_ =	strace $0x9FFFFFFF  }
0xc3: {  	(tm) =	ssettm $0x7FFFFFFF  }
tec
execute0_lowered:
.L_overlay_start_1:
0x0: {  	(tag) =	ssettag $0x1  }
0x1: {  	s6 =	rddreg [dreg:$0x0]  }
0x2: {  	s7 =	rddreg [dreg:$0x1]  }
0x3: {  	s1 =	rddreg [dreg:$0x2];
	s2 =	srdreg.scid  }
0x4: {  	s0 =	rddreg [dreg:$0x3];
	s3 =	simm.s32 $0x0;
	s13 =	simm.s32 $0x5000  }
0x5: {  	s14 =	simm.s32 $0x1;
	s8 =	sand.u32 $0x1, s2;
	s2 =	stileid.u32  }
0x6: {  	s15 =	simm.s32 $0x0;
	[smem:$0x7FF] =	sst s3;
	s9 =	smul.u32 $0x140000, s8  }
0x7: {  	s4 =	sadd.s32 $0xE400, s6;
	s5 =	sadd.s32 $0x10C00, s6;
	s10 =	smul.u32 $0x14000, s2  }
0x8: {  	_ =	strace $0x8000004D;
	s28 =	sshll.u32 s2, $0x1;
	s11 =	ssub.s32 $0x2, s8  }
0x9: {  	s29 =	smul.u32 $0x50000, s2;
	s31 =	sshll.u32 s2, $0x6;
	s8 =	sor.u32 s8, s28  }
0xa: {  	s12 =	sshrl.u32 s11, $0x1;
	s9 =	sadd.s32 s10, s9;
	s8 =	smul.u32 $0xA00, s8  }
0xb: {  	s11 =	ssub.s32 s11, s12;
	s10 =	sshrl.u32 s29, $0x2;
	s12 =	simm.s32 $0x80  }
0xc: {  	s9 =	sshrl.u32 s9, $0x3;
	s30 =	sadd.s32 s10, s1;
	s10 =	sor.u32 $0x1C02, s31  }
0xd: {  	s9 =	sadd.s32 s9, s6;
	s6 =	sadd.s32 s7, s8;
	s8 =	smax.u32 s11, $0x1  }
0xe: {  	s11 =	sshrl.u32 s30, $0x3;
	s7 =	sadd.s32 $0x38C00, s9;
	s9 =	simm.s32 $0x2  }
.LBB2_1:
0xf: {  	[tilespmem:s3], [sflag:$0x2] =	stream.linear.gather [hbm4b:s6+s3], $0x5000, $0x38;
	[tilespmem:$0x1D000] =	vst v63  }
0x10: {  	_ =	swait.ge [sflag:s9], $0x5000  }
0x11: {  	[sflag:s9] =	ssyncset.done $0x0  }
0x12: {  	[sflag:s9] =	ssyncadd.s32 $0xFFFFB000  }
0x13: {  	[spmem:s11], [sflag:s10] =	dma.local [hbm:s4], $0x2800  }
0x14: {  	_ =	swait.ge [sflag:s9], $0x2800  }
0x15: {  	[sflag:s9] =	ssyncset.done $0x0  }
0x16: {  	[sflag:s9] =	ssyncadd.s32 $0xFFFFD800  }
0x17: {  	s16 =	simm.s32 $0x0;
	[bflag:$0x0] =	sbarrier.arrive $0xFFFF  }
0x18: {  	[tilespmem:s13], [sflag:$0x1] =	stream.indirect.gather [hbm4b:s5+s12], $0x80, s16, s12, $0xb8;
	[tilespmem:$0x1D000] =	vst v63  }
0x19: {  	_ =	swait.ge [sflag:s14], $0x4000  }
0x1a: {  	[sflag:s14] =	ssyncset.done $0x0  }
0x1b: {  	s31 =	simm.s32 $0x2800;
	[sflag:s14] =	ssyncadd.s32 $0xFFFFC000  }
0x1c: {  	[spmem:s1] =	stream.indirect.scatter.add.f32 [tilespmem:s13], [sflag:$0x2], $0x80, s31, s12, $0xb8;
	[tilespmem:$0x1D000] =	vst v63  }
0x1d: {  	_ =	swait.ge [sflag:s9], $0x4000  }
0x1e: {  	s17 =	simm.s32 $0x400;
	s16 =	simm.s32 $0x200;
	[sflag:s9] =	ssyncset.done $0x0  }
.LBB2_2:
0x1f: {  	s18 =	sshra.s32 s16, $0x2  }
0x20: {  	[sflag:s9] =	ssyncadd.s32 $0xFFFFC000;
	s16 =	smov.u32 s17;
	s19 =	sadd.s32 $0x200, s17  }
0x21: {  	[tilespmem:s13], [sflag:$0x1] =	stream.indirect.gather [hbm4b:s5+s12], $0x80, s18, s12, $0xb8;
	[tilespmem:$0x1D000] =	vst v63  }
0x22: {  	p0 =	sne.s32 s17, $0x9E00;
	_ =	swait.ge [sflag:s14], $0x4000  }
.Ltmp0:
0x23: {  	[sflag:s14] =	ssyncset.done $0x0;
	(pc) =	sbr.rel @p0 .LBB2_2-.Ltmp0, $4  }
0x24: {  	s17 =	sadd.s32 $0x2800, s18;
	[sflag:s14] =	ssyncadd.s32 $0xFFFFC000  }
0x25: {  	[spmem:s1] =	stream.indirect.scatter.add.f32 [tilespmem:s13], [sflag:$0x2], $0x80, s17, s12, $0xb8;
	[tilespmem:$0x1D000] =	vst v63  }
0x26: {  	_ =	swait.ge [sflag:s9], $0x4000  }
0x27: {  	s17 =	smov.u32 s19;
	[sflag:s9] =	ssyncset.done $0x0  }
0x28: {  	s16 =	sshra.s32 s16, $0x2;
	[sflag:s9] =	ssyncadd.s32 $0xFFFFC000  }
0x29: {  	[tilespmem:s13], [sflag:$0x1] =	stream.indirect.gather [hbm4b:s5+s12], $0x80, s16, s12, $0xb8;
	[tilespmem:$0x1D000] =	vst v63  }
0x2a: {  	_ =	swait.ge [sflag:s14], $0x4000  }
0x2b: {  	[sflag:s14] =	ssyncset.done $0x0  }
0x2c: {  	s16 =	sadd.s32 $0x2800, s16;
	[sflag:s14] =	ssyncadd.s32 $0xFFFFC000  }
0x2d: {  	[spmem:s1] =	stream.indirect.scatter.add.f32 [tilespmem:s13], [sflag:$0x2], $0x80, s16, s12, $0xb8;
	[tilespmem:$0x1D000] =	vst v63  }
0x2e: {  	_ =	swait.ge [sflag:s9], $0x4000  }
0x2f: {  	s15 =	sadd.s32 $0x1, s15;
	[sflag:s9] =	ssyncset.done $0x0  }
0x30: {  	p0 =	sne.s32 s15, s8;
	[sflag:s9] =	ssyncadd.s32 $0xFFFFC000  }
.Ltmp1:
0x31: {  	[bflag:$0x0] =	sbarrier.arrive $0xFFFF;
	(pc) =	sbr.rel @p0 .LBB2_1-.Ltmp1, $4  }
0x32: {  	[hbm:s7], [sflag:s10] =	dma.local [spmem:s11], $0x2800  }
0x33: {  	_ =	swait.ge [sflag:s9], $0x2800  }
0x34: {  	[sflag:s9] =	ssyncset.done $0x0  }
0x35: {  	[sflag:s9] =	ssyncadd.s32 $0xFFFFD800  }
0x36: {  	_ =	sfence.sel $0x180000  }
0x37: {  	[bflag:$0x0] =	sbarrier.arrive $0xFFFF  }
0x38: {  	p0 =	sne.s32 s2, $0x0;
	_ =	strace $0x9000004D  }
0x39: {  	s0 =	sadd.s32 @!p0 $0x100000, s0;
	[bflag:$0x2] =	sbarrier.arrive $0xFFFF  }
0x3a: {  	[sflag:s0] =	ssyncadd.tile.s32 @!p0 $0x1;
	_ =	shalt  }
.Lfunc_end2:
_tile_overlayer_lowered:
.L_overlay_start_2:
0x3b: {  	(tag) =	ssettag $0x2  }
0x3c: {  	s0 =	rddreg [dreg:$0x0];
	s2 =	stileid.u32  }
0x3d: {  	s1 =	rddreg [dreg:$0x1];
	p0 =	sne.s32 s2, $0x0  }
0x3e: {  	s3 =	rddreg [dreg:$0x2];
	[bflag:$0x3] =	sbarrier.arrive $0xFFFF;
	s2 =	simm.s32 @!p0 $0x1C02  }
0x3f: {  	[timem:s3], [sflag:s2] =	dma.local @!p0 [hbm:s0], s1  }
0x40: {  	s0 =	simm.s32 @!p0 $0x2  }
0x41: {  	_ =	swait.ge @!p0 [sflag:s0], s1  }
0x42: {  	s1 =	ssub.s32 @!p0 $0x0, s1;
	[sflag:s0] =	ssyncset.done @!p0 $0x0  }
0x43: {  	[sflag:s0] =	ssyncadd.s32 @!p0 s1  }
0x44: {  	[bflag:$0x3] =	sbarrier.arrive $0xFFFF  }
0x45: {  	_ =	shalt  }

// kernel: kernel.20.cloned.1.call-start
scs
__scs_entry_jumppad:
0x0: {  	(pc) =	sbr.rel $0x88, $3  }
0x1: {  	(tag) =	ssettag $0x0;
	lr =	simm.s32 $0x1  }
0x2: {  	[smem:$0x3F95] =	sst lr;
	_ =	strace $0xD0000000  }
0x3: {  	_ = 	snop  }
0x4: {  	_ = 	snop  }
0x5: {  	_ = 	snop  }
0x6: {  	_ = 	snop  }
0x7: {  	_ = 	snop  }
__scs_overlays_trampoline_lowered:
0x8: {  	[smem:$0x3FA4] =	sst s0  }
0x9: {  	[smem:$0x3FA5] =	sst s1  }
0xa: {  	[smem:$0x3FA6] =	sst s2  }
0xb: {  	[smem:$0x3FA7] =	sst s3  }
0xc: {  	[smem:$0x3FA8] =	sst s4  }
0xd: {  	[smem:$0x3FA9] =	sst s5  }
0xe: {  	[smem:$0x3FAA] =	sst s6  }
0xf: {  	[smem:$0x3FAB] =	sst s7  }
0x10: {  	[smem:$0x3FAC] =	sst s8  }
0x11: {  	[smem:$0x3FAD] =	sst s9;
	s0 =	simm.s32 @!p0 $0x0  }
0x12: {  	s1 =	sld [smem:$0x3F93];
	s0 =	simm.s32 @p0 $0x1  }
0x13: {  	[smem:$0x3FAE] =	sst s0;
	s0 =	simm.s32 @!p1 $0x0  }
0x14: {  	s2 =	sld [smem:$0x3F92];
	s0 =	simm.s32 @p1 $0x1  }
0x15: {  	[smem:$0x3FAF] =	sst s0;
	s0 =	simm.s32 @!p2 $0x0  }
0x16: {  	s3 =	sld [smem:$0x3FDB];
	s0 =	simm.s32 @p2 $0x1  }
0x17: {  	s4 =	simm.s32 $0x1BF5;
	[smem:$0x3FB1] =	sst s0  }
0x18: {  	s0 =	sld [smem:$0x3F94];
	_ =	swait.ge [sflag:s4], $0x0  }
0x19: {  	s7 =	sld [smem:$0x3F95]  }
0x1a: {  	s8 =	sadd.s32 $0xFFFFE003, lr  }
0x1b: {  	s9 =	sadd.s32 $0xFFFFFEF7, lr;
	s5 =	simm.s32 $0xFFFFFFFF;
	p2 =	slt.u32 s8, $0xFFFFF086  }
0x1c: {  	p1 =	slt.u32 s9, $0xF7A;
	s5 =	simm.s32 @!p2 $0x0  }
0x1d: {  	s5 =	simm.s32 @p1 $0x1;
	p0 =	seq.s32 s7, s2  }
0x1e: {  	s7 =	smul.u32 @!p0 $0xF7A, s2;
	p2 =	seq.s32 @!p0 s5, $0x0  }
0x1f: {  	s9 =	smul.u32 $0xF7A, s1;
	s8 =	simm.s32 @!p0 $0x1BF5;
	p2 =	por !p2, p0  }
0x20: {  	[sflag:s8] =	ssyncset.s32 @!p0 $0xFFFFF086;
	s6 =	sadd.s32 @!p0 s3, s7;
	s7 =	simm.s32 @!p0 $0x108  }
0x21: {  	s3 =	sadd.s32 s3, s9;
	s6 =	sadd.s32 @!p0 $0x88, s6;
	s7 =	simm.s32 @p2 $0x1082  }
0x22: {  	[simem:s7], [sflag:s8] =	dma.local @!p0 [hbm:s6], $0xF7A  }
0x23: {  	s9 =	sor.u32 $0xD0000000, s2;
	s6 =	simm.s32 $0x108;
	_ =	swait.ge @!p0 [sflag:s8], $0x0  }
0x24: {  	s3 =	sadd.s32 $0x88, s3;
	s6 =	simm.s32 @!p1 $0x1082;
	[sflag:s4] =	ssyncset.s32 $0xFFFFF086  }
0x25: {  	[simem:s6], [sflag:s4] =	dma.local [hbm:s3], $0xF7A  }
0x26: {  	[smem:$0x3F95] =	sst s1;
	(tag) =	ssettag s2;
	_ =	strace s9  }
0x27: {  	s1 =	sld [smem:$0x3FA5]  }
0x28: {  	s2 =	sld [smem:$0x3FA6]  }
0x29: {  	s4 =	sld [smem:$0x3FA8]  }
0x2a: {  	p0 =	seq.s32 s5, $0x0;
	s5 =	sld [smem:$0x3FA9]  }
0x2b: {  	s6 =	sld [smem:$0x3FAA]  }
0x2c: {  	s7 =	sld [smem:$0x3FAB]  }
0x2d: {  	s3 =	simm.s32 $0x108;
	s8 =	sld [smem:$0x3FAC]  }
0x2e: {  	s3 =	simm.s32 @!p0 $0x1082;
	s9 =	sld [smem:$0x3FAD]  }
0x2f: {  	lr =	sadd.s32 s0, s3;
	s0 =	sld [smem:$0x3FA4]  }
0x30: {  	s3 =	sld [smem:$0x3FA7]  }
0x31: {  	[smem:$0x3FB0] =	sst s10  }
0x32: {  	s10 =	sld [smem:$0x3FAE];
	_ =	sdelay $0x3  }
0x33: {  	p0 =	seq.s32 s10, $0x1;
	s10 =	sld [smem:$0x3FB0];
	_ =	sdelay $0x3  }
0x34: {  	[smem:$0x3FB0] =	sst s10  }
0x35: {  	s10 =	sld [smem:$0x3FAF];
	_ =	sdelay $0x3  }
0x36: {  	p1 =	seq.s32 s10, $0x1;
	s10 =	sld [smem:$0x3FB0];
	_ =	sdelay $0x3  }
0x37: {  	[smem:$0x3FB0] =	sst s10  }
0x38: {  	s10 =	sld [smem:$0x3FB1]  }
0x39: {  	_ = 	snop;
	(pc) =	sbr.ind lr, $3  }
0x3a: {  	_ = 	snop  }
0x3b: {  	_ = 	snop  }
0x3c: {  	p2 =	seq.s32 s10, $0x1;
	s10 =	sld [smem:$0x3FB0]  }
0x3d: {  	_ =	shalt  }
0x3e: {  	_ =	shalt  }
0x3f: {  	_ =	shalt  }
0x40: {  	_ =	shalt  }
0x41: {  	_ =	shalt  }
0x42: {  	_ =	shalt  }
0x43: {  	_ =	shalt  }
0x44: {  	_ =	shalt  }
0x45: {  	_ =	shalt  }
0x46: {  	_ =	shalt  }
0x47: {  	_ =	shalt  }
0x48: {  	_ =	shalt  }
0x49: {  	_ =	shalt  }
0x4a: {  	_ =	shalt  }
0x4b: {  	_ =	shalt  }
0x4c: {  	_ =	shalt  }
0x4d: {  	_ =	shalt  }
0x4e: {  	_ =	shalt  }
0x4f: {  	_ =	shalt  }
0x50: {  	_ =	shalt  }
0x51: {  	_ =	shalt  }
0x52: {  	_ =	shalt  }
0x53: {  	_ =	shalt  }
0x54: {  	_ =	shalt  }
0x55: {  	_ =	shalt  }
0x56: {  	_ =	shalt  }
0x57: {  	_ =	shalt  }
0x58: {  	_ =	shalt  }
0x59: {  	_ =	shalt  }
0x5a: {  	_ =	shalt  }
0x5b: {  	_ =	shalt  }
0x5c: {  	_ =	shalt  }
0x5d: {  	_ =	shalt  }
0x5e: {  	_ =	shalt  }
0x5f: {  	_ =	shalt  }
0x60: {  	_ =	shalt  }
0x61: {  	_ =	shalt  }
0x62: {  	_ =	shalt  }
0x63: {  	_ =	shalt  }
0x64: {  	_ =	shalt  }
0x65: {  	_ =	shalt  }
0x66: {  	_ =	shalt  }
0x67: {  	_ =	shalt  }
0x68: {  	_ =	shalt  }
0x69: {  	_ =	shalt  }
0x6a: {  	_ =	shalt  }
0x6b: {  	_ =	shalt  }
0x6c: {  	_ =	shalt  }
0x6d: {  	_ =	shalt  }
0x6e: {  	_ =	shalt  }
0x6f: {  	_ =	shalt  }
0x70: {  	_ =	shalt  }
0x71: {  	_ =	shalt  }
0x72: {  	_ =	shalt  }
0x73: {  	_ =	shalt  }
0x74: {  	_ =	shalt  }
0x75: {  	_ =	shalt  }
0x76: {  	_ =	shalt  }
0x77: {  	_ =	shalt  }
0x78: {  	_ =	shalt  }
0x79: {  	_ =	shalt  }
0x7a: {  	_ =	shalt  }
0x7b: {  	_ =	shalt  }
0x7c: {  	_ =	shalt  }
0x7d: {  	_ =	shalt  }
0x7e: {  	_ =	shalt  }
0x7f: {  	_ =	shalt  }
0x80: {  	_ =	shalt  }
0x81: {  	_ =	shalt  }
0x82: {  	_ =	shalt  }
0x83: {  	_ =	shalt  }
0x84: {  	_ =	shalt  }
0x85: {  	_ =	shalt  }
0x86: {  	_ =	shalt  }
0x87: {  	_ =	shalt  }
.Lfunc_end0:
.L_simem_size_0:
called_computation.3_lowered:
.L_overlay_start_0:
0x88: {  	s2 =	sld [smem:$0x3FD9]  }
0x89: {  	s3 =	sld [smem:$0x3FFE];
	_ =	sdelay $0x1  }
0x8a: {  	s1 =	srdreg.scid  }
0x8b: {  	s0 =	sand.u32 $0x1, s1  }
0x8c: {  	s17 =	sshll.u32 s0, $0xA;
	s2 =	sadd.s32 s3, s2  }
0x8d: {  	s2 =	sadd.s32 s2, s17  }
0x8e: {  	[smem:$0x3FBC] =	sst s2  }
0x8f: {  	_ = 	snop  }
0x90: {  	s2 =	sld [smem:$0x3FD0];
	(tm) =	ssettm $0x1  }
0x91: {  	s18 =	sld [smem:$0x3FFB];
	_ =	sdelay $0x3  }
0x92: {  	_ =	strace s18  }
0x93: {  	s3 =	sld [smem:$0x3FFC];
	_ =	sdelay $0x3  }
0x94: {  	_ =	strace s3  }
0x95: {  	s3 =	sld [smem:$0x3FFD];
	_ =	sdelay $0x3  }
0x96: {  	_ =	strace s3  }
0x97: {  	_ =	strace $0x8FFFFFFF  }
0x98: {  	s19 =	sld [smem:$0x3FDB];
	_ =	sdelay $0x1  }
0x99: {  	s4 =	simm.s32 $_scs_section_size  }
0x9a: {  	s5 =	simm.s32 $_size__tile_overlayer_lowered;
	s6 =	simm.s32 $_tile_overlayer_lowered  }
0x9b: {  	s22 =	simm.s32 $0x1BFF;
	s21 =	sshll.u32 s6, $0x1;
	s3 =	sadd.s32 s4, s19  }
0x9c: {  	s7 =	simm.s32 $0x0;
	s20 =	sshll.u32 s5, $0x1;
	s5 =	sadd.s32 s21, s3  }
0x9d: {  	[timem:s7], [sflag:s22] =	dma.local [hbm:s5], s20  }
0x9e: {  	_ =	swait.ge [sflag:s22], s20  }
0x9f: {  	s4 =	ssub.s32 $0x0, s20;
	[sflag:s22] =	ssyncset.done $0x0  }
0xa0: {  	[sflag:s22] =	ssyncadd.s32 s4;
	_ =	sdelay $0x1  }
0xa1: {  	s23 =	simm.s32 $0x1B8B  }
0xa2: {  	_ =	swait.ge [sflag:s23], $0x1  }
0xa3: {  	[sflag:s23] =	ssyncset.done $0x0  }
0xa4: {  	s25 =	simm.s32 $0x1B8E;
	s24 =	sld [smem:$0x3FFE];
	[sflag:s23] =	ssyncadd.s32 $0xFFFFFFFF  }
0xa5: {  	s26 =	simm.s32 $execute0_lowered;
	[smem:$0x3FD2] =	sst s25  }
0xa6: {  	s5 =	sshll.u32 s26, $0x1;
	_ =	strace $0x8000004F;
	[dreg:$0x1] =	wrdreg $0xFFFFFFFF  }
0xa7: {  	s28 =	simm.s32 $_size_execute0_lowered;
	s3 =	sadd.s32 s3, s5;
	[dreg:$0x0] =	wrdreg $0x0  }
0xa8: {  	s5 =	sshll.u32 s28, $0x1;
	[dreg:$0x2] =	wrdreg s3  }
0xa9: {  	[dreg:$0x3] =	wrdreg s5  }
0xaa: {  	[dreg:$0x4] =	wrdreg $0xC0  }
0xab: {  	_ =	task [dreg:s7], $0x5FFFF  }
0xac: {  	[dreg:$0x1] =	wrdreg $0xFFFFFFFF  }
0xad: {  	[dreg:$0x0] =	wrdreg $0x60  }
0xae: {  	[dreg:$0x2] =	wrdreg s24  }
0xaf: {  	[dreg:$0x3] =	wrdreg s2  }
0xb0: {  	[dreg:$0x4] =	wrdreg $0x90000  }
0xb1: {  	[dreg:$0x5] =	wrdreg $0x9  }
0xb2: {  	_ =	task.clear_ibuf [dreg:s7], $0x6FFFF;
	_ =	strace $0x9000004F  }
0xb3: {  	s29 =	simm.s32 $0x9;
	_ =	strace $0x80000051  }
0xb4: {  	_ =	swait.ge [sflag:s29], $0x1  }
0xb5: {  	[sflag:s29] =	ssyncadd.s32 $0xFFFFFFFF  }
0xb6: {  	_ =	strace $0x90000051  }
0xb7: {  	_ =	sfence  }
0xb8: {  	s30 =	sld [smem:$0x0];
	_ =	sdelay $0x2  }
0xb9: {  	s31 =	sshll.u32 s1, $0xD;
	s1 =	sshrl.u32 s1, $0x2  }
0xba: {  	s3 =	sand.u32 $0x4000, s31;
	s1 =	sadd.s32 s1, s30  }
0xbb: {  	s0 =	sor.u32 s3, s0;
	s1 =	sshll.u32 s1, $0x11  }
0xbc: {  	s0 =	sor.u32 s1, s0  }
0xbd: {  	s0 =	sadd.s32 $0x8F2B, s0  }
0xbe: {  	[sflag:s0] =	ssyncadd.remote.s32 $0x1  }
0xbf: {  	_ =	sfence.sel $0xFFFF  }
0xc0: {  	[dreg:$0x0] =	wrdreg $0xFFFFFFFF;
	(pc) =	sbr.abs _section_cstart, $3  }
0xc1: {  	[dreg:$0x1] =	wrdreg $0xFFFFFFFF  }
0xc2: {  	_ =	task.clear_ibuf [dreg:s7], $0x2FFFF;
	_ =	strace $0x9FFFFFFF  }
0xc3: {  	(tm) =	ssettm $0x7FFFFFFF  }
tec
execute0_lowered:
.L_overlay_start_1:
0x0: {  	(tag) =	ssettag $0x1  }
0x1: {  	s6 =	rddreg [dreg:$0x0]  }
0x2: {  	s7 =	rddreg [dreg:$0x1]  }
0x3: {  	s1 =	rddreg [dreg:$0x2];
	s2 =	srdreg.scid  }
0x4: {  	s0 =	rddreg [dreg:$0x3];
	s3 =	simm.s32 $0x0;
	s13 =	simm.s32 $0x5000  }
0x5: {  	s14 =	simm.s32 $0x1;
	s8 =	sand.u32 $0x1, s2;
	s2 =	stileid.u32  }
0x6: {  	s15 =	simm.s32 $0x0;
	[smem:$0x7FF] =	sst s3;
	s9 =	smul.u32 $0x140000, s8  }
0x7: {  	s4 =	sadd.s32 $0xE400, s6;
	s5 =	sadd.s32 $0x10C00, s6;
	s10 =	smul.u32 $0x14000, s2  }
0x8: {  	_ =	strace $0x80000050;
	s28 =	sshll.u32 s2, $0x1;
	s11 =	ssub.s32 $0x2, s8  }
0x9: {  	s29 =	smul.u32 $0x50000, s2;
	s31 =	sshll.u32 s2, $0x6;
	s8 =	sor.u32 s8, s28  }
0xa: {  	s12 =	sshrl.u32 s11, $0x1;
	s9 =	sadd.s32 s10, s9;
	s8 =	smul.u32 $0xA00, s8  }
0xb: {  	s11 =	ssub.s32 s11, s12;
	s10 =	sshrl.u32 s29, $0x2;
	s12 =	simm.s32 $0x80  }
0xc: {  	s9 =	sshrl.u32 s9, $0x3;
	s30 =	sadd.s32 s10, s1;
	s10 =	sor.u32 $0x1C02, s31  }
0xd: {  	s9 =	sadd.s32 s9, s6;
	s6 =	sadd.s32 s7, s8;
	s8 =	smax.u32 s11, $0x1  }
0xe: {  	s11 =	sshrl.u32 s30, $0x3;
	s7 =	sadd.s32 $0x38C00, s9;
	s9 =	simm.s32 $0x2  }
.LBB2_1:
0xf: {  	[tilespmem:s3], [sflag:$0x2] =	stream.linear.gather [hbm4b:s6+s3], $0x5000, $0x38;
	[tilespmem:$0x1D000] =	vst v63  }
0x10: {  	_ =	swait.ge [sflag:s9], $0x5000  }
0x11: {  	[sflag:s9] =	ssyncset.done $0x0  }
0x12: {  	[sflag:s9] =	ssyncadd.s32 $0xFFFFB000  }
0x13: {  	[spmem:s11], [sflag:s10] =	dma.local [hbm:s4], $0x2800  }
0x14: {  	_ =	swait.ge [sflag:s9], $0x2800  }
0x15: {  	[sflag:s9] =	ssyncset.done $0x0  }
0x16: {  	[sflag:s9] =	ssyncadd.s32 $0xFFFFD800  }
0x17: {  	s16 =	simm.s32 $0x0;
	[bflag:$0x0] =	sbarrier.arrive $0xFFFF  }
0x18: {  	[tilespmem:s13], [sflag:$0x1] =	stream.indirect.gather [hbm4b:s5+s12], $0x80, s16, s12, $0xb8;
	[tilespmem:$0x1D000] =	vst v63  }
0x19: {  	_ =	swait.ge [sflag:s14], $0x4000  }
0x1a: {  	[sflag:s14] =	ssyncset.done $0x0  }
0x1b: {  	s31 =	simm.s32 $0x2800;
	[sflag:s14] =	ssyncadd.s32 $0xFFFFC000  }
0x1c: {  	[spmem:s1] =	stream.indirect.scatter.add.f32 [tilespmem:s13], [sflag:$0x2], $0x80, s31, s12, $0xb8;
	[tilespmem:$0x1D000] =	vst v63  }
0x1d: {  	_ =	swait.ge [sflag:s9], $0x4000  }
0x1e: {  	s17 =	simm.s32 $0x400;
	s16 =	simm.s32 $0x200;
	[sflag:s9] =	ssyncset.done $0x0  }
.LBB2_2:
0x1f: {  	s18 =	sshra.s32 s16, $0x2  }
0x20: {  	[sflag:s9] =	ssyncadd.s32 $0xFFFFC000;
	s16 =	smov.u32 s17;
	s19 =	sadd.s32 $0x200, s17  }
0x21: {  	[tilespmem:s13], [sflag:$0x1] =	stream.indirect.gather [hbm4b:s5+s12], $0x80, s18, s12, $0xb8;
	[tilespmem:$0x1D000] =	vst v63  }
0x22: {  	p0 =	sne.s32 s17, $0x9E00;
	_ =	swait.ge [sflag:s14], $0x4000  }
.Ltmp0:
0x23: {  	[sflag:s14] =	ssyncset.done $0x0;
	(pc) =	sbr.rel @p0 .LBB2_2-.Ltmp0, $4  }
0x24: {  	s17 =	sadd.s32 $0x2800, s18;
	[sflag:s14] =	ssyncadd.s32 $0xFFFFC000  }
0x25: {  	[spmem:s1] =	stream.indirect.scatter.add.f32 [tilespmem:s13], [sflag:$0x2], $0x80, s17, s12, $0xb8;
	[tilespmem:$0x1D000] =	vst v63  }
0x26: {  	_ =	swait.ge [sflag:s9], $0x4000  }
0x27: {  	s17 =	smov.u32 s19;
	[sflag:s9] =	ssyncset.done $0x0  }
0x28: {  	s16 =	sshra.s32 s16, $0x2;
	[sflag:s9] =	ssyncadd.s32 $0xFFFFC000  }
0x29: {  	[tilespmem:s13], [sflag:$0x1] =	stream.indirect.gather [hbm4b:s5+s12], $0x80, s16, s12, $0xb8;
	[tilespmem:$0x1D000] =	vst v63  }
0x2a: {  	_ =	swait.ge [sflag:s14], $0x4000  }
0x2b: {  	[sflag:s14] =	ssyncset.done $0x0  }
0x2c: {  	s16 =	sadd.s32 $0x2800, s16;
	[sflag:s14] =	ssyncadd.s32 $0xFFFFC000  }
0x2d: {  	[spmem:s1] =	stream.indirect.scatter.add.f32 [tilespmem:s13], [sflag:$0x2], $0x80, s16, s12, $0xb8;
	[tilespmem:$0x1D000] =	vst v63  }
0x2e: {  	_ =	swait.ge [sflag:s9], $0x4000  }
0x2f: {  	s15 =	sadd.s32 $0x1, s15;
	[sflag:s9] =	ssyncset.done $0x0  }
0x30: {  	p0 =	sne.s32 s15, s8;
	[sflag:s9] =	ssyncadd.s32 $0xFFFFC000  }
.Ltmp1:
0x31: {  	[bflag:$0x0] =	sbarrier.arrive $0xFFFF;
	(pc) =	sbr.rel @p0 .LBB2_1-.Ltmp1, $4  }
0x32: {  	[hbm:s7], [sflag:s10] =	dma.local [spmem:s11], $0x2800  }
0x33: {  	_ =	swait.ge [sflag:s9], $0x2800  }
0x34: {  	[sflag:s9] =	ssyncset.done $0x0  }
0x35: {  	[sflag:s9] =	ssyncadd.s32 $0xFFFFD800  }
0x36: {  	_ =	sfence.sel $0x180000  }
0x37: {  	[bflag:$0x0] =	sbarrier.arrive $0xFFFF  }
0x38: {  	p0 =	sne.s32 s2, $0x0;
	_ =	strace $0x90000050  }
0x39: {  	s0 =	sadd.s32 @!p0 $0x100000, s0;
	[bflag:$0x2] =	sbarrier.arrive $0xFFFF  }
0x3a: {  	[sflag:s0] =	ssyncadd.tile.s32 @!p0 $0x1;
	_ =	shalt  }
.Lfunc_end2:
_tile_overlayer_lowered:
.L_overlay_start_2:
0x3b: {  	(tag) =	ssettag $0x2  }
0x3c: {  	s0 =	rddreg [dreg:$0x0];
	s2 =	stileid.u32  }
0x3d: {  	s1 =	rddreg [dreg:$0x1];
	p0 =	sne.s32 s2, $0x0  }
0x3e: {  	s3 =	rddreg [dreg:$0x2];
	[bflag:$0x3] =	sbarrier.arrive $0xFFFF;
	s2 =	simm.s32 @!p0 $0x1C02  }
0x3f: {  	[timem:s3], [sflag:s2] =	dma.local @!p0 [hbm:s0], s1  }
0x40: {  	s0 =	simm.s32 @!p0 $0x2  }
0x41: {  	_ =	swait.ge @!p0 [sflag:s0], s1  }
0x42: {  	s1 =	ssub.s32 @!p0 $0x0, s1;
	[sflag:s0] =	ssyncset.done @!p0 $0x0  }
0x43: {  	[sflag:s0] =	ssyncadd.s32 @!p0 s1  }
0x44: {  	[bflag:$0x3] =	sbarrier.arrive $0xFFFF  }
0x45: {  	_ =	shalt  }

</sc_bundles>
